<compile_context>
chip_gen: v7x
topology: tpu7x:2x2x1
jax: 0.10.2.dev20260603
libtpu: 0.0.44.dev20260713+nightly
codegen_flags: <defaults>
</compile_context>

<pallas_src>
import functools

import jax
import jax.numpy as jnp
from jax import lax
from jax.experimental import pallas as pl
from jax.experimental.pallas import tpu as pltpu
from jax.experimental.pallas import tpu_sc as plsc

_NBUF = 4
_LANES = 16


def _routing_kernel(idx_hbm, w_hbm, coeff_hbm,
                    idx_v, w_v, local, *, N, E, K):
    wid = lax.axis_index("s") * 2 + lax.axis_index("c")
    n_workers = N // _LANES

    @pl.when(wid < n_workers)
    def _work():
        base = wid * _LANES
        for r in range(_LANES):
            for c in range(E // _LANES):
                local[r, pl.ds(c * _LANES, _LANES)] = jnp.zeros(
                    (_LANES,), jnp.float32)
        rows = jnp.arange(_LANES, dtype=jnp.int32)
        for k in range(K):
            pltpu.sync_copy(idx_hbm.at[k, pl.ds(base, _LANES)], idx_v)
            pltpu.sync_copy(w_hbm.at[k, pl.ds(base, _LANES)], w_v)
            plsc.addupdate_scatter(local, [rows, idx_v[...]], w_v[...])
        pltpu.sync_copy(local, coeff_hbm.at[pl.ds(base, _LANES), :])


def _moe_kernel(coeff_ref, x_ref, scale_ref, gu_hbm, dw_hbm, out_ref,
                gu_buf, dw_buf, xb_ref, sem, *, F, E):
    lookahead = _NBUF - 1

    def start_copy(e, slot):
        pltpu.make_async_copy(gu_hbm.at[e], gu_buf.at[slot], sem.at[slot, 0]).start()
        pltpu.make_async_copy(dw_hbm.at[e], dw_buf.at[slot], sem.at[slot, 1]).start()

    for j in range(lookahead):
        start_copy(j, j)

    out_ref[...] = jnp.zeros_like(out_ref)
    xb_ref[...] = x_ref[...].astype(jnp.bfloat16)

    def body(e, _):
        slot = jax.lax.rem(e, _NBUF)

        @pl.when(e + lookahead < E)
        def _prefetch():
            start_copy(e + lookahead, jax.lax.rem(e + lookahead, _NBUF))

        pltpu.make_async_copy(gu_hbm.at[e], gu_buf.at[slot], sem.at[slot, 0]).wait()
        pltpu.make_async_copy(dw_hbm.at[e], dw_buf.at[slot], sem.at[slot, 1]).wait()

        onehot = (lax.broadcasted_iota(jnp.int32, (1, E), 1) == e)
        coeff = jnp.sum(jnp.where(onehot, coeff_ref[...], 0.0), axis=1,
                        keepdims=True) * scale_ref[e]

        gu = gu_buf[slot].astype(jnp.bfloat16)
        h = jnp.dot(xb_ref[...], gu, preferred_element_type=jnp.float32)
        gate = h[:, :F]
        up = h[:, F:]
        act = 0.5 * gate * (1.0 + jax.lax.erf(gate * 0.7071067811865476)) * up
        y = jnp.dot(act.astype(jnp.bfloat16), dw_buf[slot].astype(jnp.bfloat16),
                    preferred_element_type=jnp.float32)
        out_ref[...] += coeff * y
        return 0

    jax.lax.fori_loop(0, E, body, 0)


def kernel(x, weights, expert_indices, gate_up, down, per_expert_scale):
    B, L, D = x.shape
    K = weights.shape[-1]
    E, _, F2 = gate_up.shape
    F = F2 // 2
    N = B * L

    x_flat = x.reshape(N, D)
    w_kn = weights.reshape(N, K).T
    idx_kn = expert_indices.reshape(N, K).T

    mesh = plsc.VectorSubcoreMesh(core_axis_name="c", subcore_axis_name="s")
    coeff = pl.kernel(
        functools.partial(_routing_kernel, N=N, E=E, K=K),
        out_type=jax.ShapeDtypeStruct((N, E), jnp.float32),
        mesh=mesh,
        compiler_params=pltpu.CompilerParams(needs_layout_passes=False),
        scratch_types=[
            pltpu.VMEM((_LANES,), jnp.int32),
            pltpu.VMEM((_LANES,), jnp.float32),
            pltpu.VMEM((_LANES, E), jnp.float32),
        ],
    )(idx_kn, w_kn)

    out = pl.pallas_call(
        functools.partial(_moe_kernel, F=F, E=E),
        in_specs=[
            pl.BlockSpec(memory_space=pltpu.MemorySpace.VMEM),
            pl.BlockSpec(memory_space=pltpu.MemorySpace.VMEM),
            pl.BlockSpec(memory_space=pltpu.MemorySpace.SMEM),
            pl.BlockSpec(memory_space=pl.ANY),
            pl.BlockSpec(memory_space=pl.ANY),
        ],
        out_specs=pl.BlockSpec(memory_space=pltpu.MemorySpace.VMEM),
        out_shape=jax.ShapeDtypeStruct((N, D), jnp.float32),
        scratch_shapes=[
            pltpu.VMEM((_NBUF, D, F2), jnp.float32),
            pltpu.VMEM((_NBUF, F, D), jnp.float32),
            pltpu.VMEM((N, D), jnp.bfloat16),
            pltpu.SemaphoreType.DMA((_NBUF, 2)),
        ],
    )(coeff, x_flat, per_expert_scale, gate_up, down)

    return out.reshape(B, L, D)

# --- scband reference (transcript-rebuilt; emitter-appended) ---
"""Pipeline reference for scband-mo-eexperts-7894149890291 (READ-ONLY COPY).

The authoritative reference and input builder live on the scoring server;
editing this copy changes nothing except your own understanding.
"""

import jax, jax.numpy as jnp
import numpy as np

B, L, D = 32, 8, 768
K = 2
E = 64
F = 512


def setup_inputs(seed: int = 0) -> dict:
    key = jax.random.key(seed)
    ks = jax.random.split(key, 6)
    x = jax.random.normal(ks[0], (B, L, D), dtype=jnp.float32)
    weights = jax.random.uniform(ks[1], (B, L, K), dtype=jnp.float32)
    weights = weights / jnp.sum(weights, axis=-1, keepdims=True)
    expert_indices = jax.random.randint(ks[2], (B, L, K), 0, E, dtype=jnp.int32)
    # kaiming-uniform-ish init for the batched expert weights
    b_gu = float(np.sqrt(6.0 / D))
    b_dw = float(np.sqrt(6.0 / F))
    gate_up = jax.random.uniform(ks[3], (E, D, 2 * F), dtype=jnp.float32, minval=-b_gu, maxval=b_gu)
    down = jax.random.uniform(ks[4], (E, F, D), dtype=jnp.float32, minval=-b_dw, maxval=b_dw)
    per_expert_scale = jnp.ones((E,), dtype=jnp.float32)
    return {
        "x": x,
        "weights": weights,
        "expert_indices": expert_indices,
        "gate_up": gate_up,
        "down": down,
        "per_expert_scale": per_expert_scale,
    }


def reference(x, weights, expert_indices, gate_up, down, per_expert_scale):
    Bb, Ll, Dd = x.shape
    Kk = weights.shape[-1]
    x_flat = x.reshape(-1, Dd)
    wi_flat = expert_indices.reshape(-1, Kk)
    ww_flat = weights.reshape(-1, Kk)
    out = jnp.zeros_like(x_flat)
    for k_idx in range(Kk):
        eid = wi_flat[:, k_idx]
        w = ww_flat[:, k_idx][:, None]
        gu = jnp.take(gate_up, eid, axis=0)      # [N, D, 2F] per-token weight gather
        dw = jnp.take(down, eid, axis=0)         # [N, F, D]
        h = jnp.einsum('nd,ndf->nf', x_flat, gu)  # bmm(x[:,None,:], gu).squeeze(1)
        gate, up = jnp.split(h, 2, axis=-1)
        act = jax.nn.gelu(gate, approximate=False) * up
        y = jnp.einsum('nf,nfd->nd', act, dw)
        es = jnp.take(per_expert_scale, eid)[:, None]
        out = out + w * es * y
    return out.reshape(Bb, Ll, Dd)

if __name__ == "__main__":
    import jax
    _d = setup_inputs()
    print(jax.jit(kernel)(*tuple(_d.values())))

</pallas_src>

<mosaic_0001>
#map = affine_map<(d0, d1) -> (0, 0)>
module attributes {stable_mosaic.version = 14 : i64} {
  func.func @_routing_kernel(%arg0: i32, %arg1: i32, %arg2: memref<2x256xi32, #tpu.memory_space<hbm>>, %arg3: memref<2x256xf32, #tpu.memory_space<hbm>>, %arg4: memref<256x64xf32, #tpu.memory_space<hbm>>, %arg5: memref<16xi32, #tpu.memory_space<vmem>>, %arg6: memref<16xf32, #tpu.memory_space<vmem>>, %arg7: memref<16x64xf32, #tpu.memory_space<vmem>>) attributes {dimension_semantics = [#tpu.dimension_semantics<core_parallel>, #tpu.dimension_semantics<subcore_parallel>], iteration_bounds = array<i64: 2, 16>, scalar_prefetch = 0 : i64, scratch_operands = 3 : i64, tpu.core_type = #tpu.core_type<sc_vector_subcore>, window_params = [{transform_indices = #map}, {transform_indices = #map}, {transform_indices = #map}]} {
    %mul3A = arith.constant 2 : i32
    %mul3A_0 = arith.muli %arg1, %mul3A : i32
    %add3A = arith.addi %mul3A_0, %arg0 : i32
    %lt3A = arith.constant 16 : i32
    %lt3A_1 = arith.cmpi slt, %add3A, %lt3A : i32
    %convert_element_type3A = arith.extui %lt3A_1 : i1 to i32
    %cond3A = arith.constant 0 : i32
    %cond3A_2 = arith.cmpi ne, %convert_element_type3A, %cond3A : i32
    scf.if %cond3A_2 {
      %mul3A_3 = arith.constant 16 : i32
      %mul3A_4 = arith.muli %add3A, %mul3A_3 : i32
      %broadcast_in_dim3A = arith.constant 0.000000e+00 : f32
      %broadcast_in_dim3A_5 = vector.broadcast %broadcast_in_dim3A : f32 to vector<16xf32>
      %swap3A = arith.constant 0 : i32
      %swap3A_6 = arith.index_cast %swap3A : i32 to index
      %swap3A_7 = arith.constant 0 : index
      %swap3A_8 = tpu.vector_load %arg7[%swap3A_6, %swap3A_7] {strides = array<i32>} : memref<16x64xf32, #tpu.memory_space<vmem>>, vector<16xf32>,
      tpu.vector_store %arg7[%swap3A_6, %swap3A_7], %broadcast_in_dim3A_5 {strides = array<i32>} : memref<16x64xf32, #tpu.memory_space<vmem>>, vector<16xf32>,
      %broadcast_in_dim3A_9 = arith.constant 0.000000e+00 : f32
      %broadcast_in_dim3A_10 = vector.broadcast %broadcast_in_dim3A_9 : f32 to vector<16xf32>
      %swap3A_11 = arith.constant 0 : i32
      %swap3A_12 = arith.index_cast %swap3A_11 : i32 to index
      %swap3A_13 = arith.constant 16 : index
      %swap3A_14 = tpu.vector_load %arg7[%swap3A_12, %swap3A_13] {strides = array<i32>} : memref<16x64xf32, #tpu.memory_space<vmem>>, vector<16xf32>,
      tpu.vector_store %arg7[%swap3A_12, %swap3A_13], %broadcast_in_dim3A_10 {strides = array<i32>} : memref<16x64xf32, #tpu.memory_space<vmem>>, vector<16xf32>,
      %broadcast_in_dim3A_15 = arith.constant 0.000000e+00 : f32
      %broadcast_in_dim3A_16 = vector.broadcast %broadcast_in_dim3A_15 : f32 to vector<16xf32>
      %swap3A_17 = arith.constant 0 : i32
      %swap3A_18 = arith.index_cast %swap3A_17 : i32 to index
      %swap3A_19 = arith.constant 32 : index
      %swap3A_20 = tpu.vector_load %arg7[%swap3A_18, %swap3A_19] {strides = array<i32>} : memref<16x64xf32, #tpu.memory_space<vmem>>, vector<16xf32>,
      tpu.vector_store %arg7[%swap3A_18, %swap3A_19], %broadcast_in_dim3A_16 {strides = array<i32>} : memref<16x64xf32, #tpu.memory_space<vmem>>, vector<16xf32>,
      %broadcast_in_dim3A_21 = arith.constant 0.000000e+00 : f32
      %broadcast_in_dim3A_22 = vector.broadcast %broadcast_in_dim3A_21 : f32 to vector<16xf32>
      %swap3A_23 = arith.constant 0 : i32
      %swap3A_24 = arith.index_cast %swap3A_23 : i32 to index
      %swap3A_25 = arith.constant 48 : index
      %swap3A_26 = tpu.vector_load %arg7[%swap3A_24, %swap3A_25] {strides = array<i32>} : memref<16x64xf32, #tpu.memory_space<vmem>>, vector<16xf32>,
      tpu.vector_store %arg7[%swap3A_24, %swap3A_25], %broadcast_in_dim3A_22 {strides = array<i32>} : memref<16x64xf32, #tpu.memory_space<vmem>>, vector<16xf32>,
      %broadcast_in_dim3A_27 = arith.constant 0.000000e+00 : f32
      %broadcast_in_dim3A_28 = vector.broadcast %broadcast_in_dim3A_27 : f32 to vector<16xf32>
      %swap3A_29 = arith.constant 1 : i32
      %swap3A_30 = arith.index_cast %swap3A_29 : i32 to index
      %swap3A_31 = arith.constant 0 : index
      %swap3A_32 = tpu.vector_load %arg7[%swap3A_30, %swap3A_31] {strides = array<i32>} : memref<16x64xf32, #tpu.memory_space<vmem>>, vector<16xf32>,
      tpu.vector_store %arg7[%swap3A_30, %swap3A_31], %broadcast_in_dim3A_28 {strides = array<i32>} : memref<16x64xf32, #tpu.memory_space<vmem>>, vector<16xf32>,
      %broadcast_in_dim3A_33 = arith.constant 0.000000e+00 : f32
      %broadcast_in_dim3A_34 = vector.broadcast %broadcast_in_dim3A_33 : f32 to vector<16xf32>
      %swap3A_35 = arith.constant 1 : i32
      %swap3A_36 = arith.index_cast %swap3A_35 : i32 to index
      %swap3A_37 = arith.constant 16 : index
      %swap3A_38 = tpu.vector_load %arg7[%swap3A_36, %swap3A_37] {strides = array<i32>} : memref<16x64xf32, #tpu.memory_space<vmem>>, vector<16xf32>,
      tpu.vector_store %arg7[%swap3A_36, %swap3A_37], %broadcast_in_dim3A_34 {strides = array<i32>} : memref<16x64xf32, #tpu.memory_space<vmem>>, vector<16xf32>,
      %broadcast_in_dim3A_39 = arith.constant 0.000000e+00 : f32
      %broadcast_in_dim3A_40 = vector.broadcast %broadcast_in_dim3A_39 : f32 to vector<16xf32>
      %swap3A_41 = arith.constant 1 : i32
      %swap3A_42 = arith.index_cast %swap3A_41 : i32 to index
      %swap3A_43 = arith.constant 32 : index
      %swap3A_44 = tpu.vector_load %arg7[%swap3A_42, %swap3A_43] {strides = array<i32>} : memref<16x64xf32, #tpu.memory_space<vmem>>, vector<16xf32>,
      tpu.vector_store %arg7[%swap3A_42, %swap3A_43], %broadcast_in_dim3A_40 {strides = array<i32>} : memref<16x64xf32, #tpu.memory_space<vmem>>, vector<16xf32>,
      %broadcast_in_dim3A_45 = arith.constant 0.000000e+00 : f32
      %broadcast_in_dim3A_46 = vector.broadcast %broadcast_in_dim3A_45 : f32 to vector<16xf32>
      %swap3A_47 = arith.constant 1 : i32
      %swap3A_48 = arith.index_cast %swap3A_47 : i32 to index
      %swap3A_49 = arith.constant 48 : index
      %swap3A_50 = tpu.vector_load %arg7[%swap3A_48, %swap3A_49] {strides = array<i32>} : memref<16x64xf32, #tpu.memory_space<vmem>>, vector<16xf32>,
      tpu.vector_store %arg7[%swap3A_48, %swap3A_49], %broadcast_in_dim3A_46 {strides = array<i32>} : memref<16x64xf32, #tpu.memory_space<vmem>>, vector<16xf32>,
      %broadcast_in_dim3A_51 = arith.constant 0.000000e+00 : f32
      %broadcast_in_dim3A_52 = vector.broadcast %broadcast_in_dim3A_51 : f32 to vector<16xf32>
      %swap3A_53 = arith.constant 2 : i32
      %swap3A_54 = arith.index_cast %swap3A_53 : i32 to index
      %swap3A_55 = arith.constant 0 : index
      %swap3A_56 = tpu.vector_load %arg7[%swap3A_54, %swap3A_55] {strides = array<i32>} : memref<16x64xf32, #tpu.memory_space<vmem>>, vector<16xf32>,
      tpu.vector_store %arg7[%swap3A_54, %swap3A_55], %broadcast_in_dim3A_52 {strides = array<i32>} : memref<16x64xf32, #tpu.memory_space<vmem>>, vector<16xf32>,
      %broadcast_in_dim3A_57 = arith.constant 0.000000e+00 : f32
      %broadcast_in_dim3A_58 = vector.broadcast %broadcast_in_dim3A_57 : f32 to vector<16xf32>
      %swap3A_59 = arith.constant 2 : i32
      %swap3A_60 = arith.index_cast %swap3A_59 : i32 to index
      %swap3A_61 = arith.constant 16 : index
      %swap3A_62 = tpu.vector_load %arg7[%swap3A_60, %swap3A_61] {strides = array<i32>} : memref<16x64xf32, #tpu.memory_space<vmem>>, vector<16xf32>,
      tpu.vector_store %arg7[%swap3A_60, %swap3A_61], %broadcast_in_dim3A_58 {strides = array<i32>} : memref<16x64xf32, #tpu.memory_space<vmem>>, vector<16xf32>,
      %broadcast_in_dim3A_63 = arith.constant 0.000000e+00 : f32
      %broadcast_in_dim3A_64 = vector.broadcast %broadcast_in_dim3A_63 : f32 to vector<16xf32>
      %swap3A_65 = arith.constant 2 : i32
      %swap3A_66 = arith.index_cast %swap3A_65 : i32 to index
      %swap3A_67 = arith.constant 32 : index
      %swap3A_68 = tpu.vector_load %arg7[%swap3A_66, %swap3A_67] {strides = array<i32>} : memref<16x64xf32, #tpu.memory_space<vmem>>, vector<16xf32>,
      tpu.vector_store %arg7[%swap3A_66, %swap3A_67], %broadcast_in_dim3A_64 {strides = array<i32>} : memref<16x64xf32, #tpu.memory_space<vmem>>, vector<16xf32>,
      %broadcast_in_dim3A_69 = arith.constant 0.000000e+00 : f32
      %broadcast_in_dim3A_70 = vector.broadcast %broadcast_in_dim3A_69 : f32 to vector<16xf32>
      %swap3A_71 = arith.constant 2 : i32
      %swap3A_72 = arith.index_cast %swap3A_71 : i32 to index
      %swap3A_73 = arith.constant 48 : index
      %swap3A_74 = tpu.vector_load %arg7[%swap3A_72, %swap3A_73] {strides = array<i32>} : memref<16x64xf32, #tpu.memory_space<vmem>>, vector<16xf32>,
      tpu.vector_store %arg7[%swap3A_72, %swap3A_73], %broadcast_in_dim3A_70 {strides = array<i32>} : memref<16x64xf32, #tpu.memory_space<vmem>>, vector<16xf32>,
      %broadcast_in_dim3A_75 = arith.constant 0.000000e+00 : f32
      %broadcast_in_dim3A_76 = vector.broadcast %broadcast_in_dim3A_75 : f32 to vector<16xf32>
      %swap3A_77 = arith.constant 3 : i32
      %swap3A_78 = arith.index_cast %swap3A_77 : i32 to index
      %swap3A_79 = arith.constant 0 : index
      %swap3A_80 = tpu.vector_load %arg7[%swap3A_78, %swap3A_79] {strides = array<i32>} : memref<16x64xf32, #tpu.memory_space<vmem>>, vector<16xf32>,
      tpu.vector_store %arg7[%swap3A_78, %swap3A_79], %broadcast_in_dim3A_76 {strides = array<i32>} : memref<16x64xf32, #tpu.memory_space<vmem>>, vector<16xf32>,
      %broadcast_in_dim3A_81 = arith.constant 0.000000e+00 : f32
      %broadcast_in_dim3A_82 = vector.broadcast %broadcast_in_dim3A_81 : f32 to vector<16xf32>
      %swap3A_83 = arith.constant 3 : i32
      %swap3A_84 = arith.index_cast %swap3A_83 : i32 to index
      %swap3A_85 = arith.constant 16 : index
      %swap3A_86 = tpu.vector_load %arg7[%swap3A_84, %swap3A_85] {strides = array<i32>} : memref<16x64xf32, #tpu.memory_space<vmem>>, vector<16xf32>,
      tpu.vector_store %arg7[%swap3A_84, %swap3A_85], %broadcast_in_dim3A_82 {strides = array<i32>} : memref<16x64xf32, #tpu.memory_space<vmem>>, vector<16xf32>,
      %broadcast_in_dim3A_87 = arith.constant 0.000000e+00 : f32
      %broadcast_in_dim3A_88 = vector.broadcast %broadcast_in_dim3A_87 : f32 to vector<16xf32>
      %swap3A_89 = arith.constant 3 : i32
      %swap3A_90 = arith.index_cast %swap3A_89 : i32 to index
      %swap3A_91 = arith.constant 32 : index
      %swap3A_92 = tpu.vector_load %arg7[%swap3A_90, %swap3A_91] {strides = array<i32>} : memref<16x64xf32, #tpu.memory_space<vmem>>, vector<16xf32>,
      tpu.vector_store %arg7[%swap3A_90, %swap3A_91], %broadcast_in_dim3A_88 {strides = array<i32>} : memref<16x64xf32, #tpu.memory_space<vmem>>, vector<16xf32>,
      %broadcast_in_dim3A_93 = arith.constant 0.000000e+00 : f32
      %broadcast_in_dim3A_94 = vector.broadcast %broadcast_in_dim3A_93 : f32 to vector<16xf32>
      %swap3A_95 = arith.constant 3 : i32
      %swap3A_96 = arith.index_cast %swap3A_95 : i32 to index
      %swap3A_97 = arith.constant 48 : index
      %swap3A_98 = tpu.vector_load %arg7[%swap3A_96, %swap3A_97] {strides = array<i32>} : memref<16x64xf32, #tpu.memory_space<vmem>>, vector<16xf32>,
      tpu.vector_store %arg7[%swap3A_96, %swap3A_97], %broadcast_in_dim3A_94 {strides = array<i32>} : memref<16x64xf32, #tpu.memory_space<vmem>>, vector<16xf32>,
      %broadcast_in_dim3A_99 = arith.constant 0.000000e+00 : f32
      %broadcast_in_dim3A_100 = vector.broadcast %broadcast_in_dim3A_99 : f32 to vector<16xf32>
      %swap3A_101 = arith.constant 4 : i32
      %swap3A_102 = arith.index_cast %swap3A_101 : i32 to index
      %swap3A_103 = arith.constant 0 : index
      %swap3A_104 = tpu.vector_load %arg7[%swap3A_102, %swap3A_103] {strides = array<i32>} : memref<16x64xf32, #tpu.memory_space<vmem>>, vector<16xf32>,
      tpu.vector_store %arg7[%swap3A_102, %swap3A_103], %broadcast_in_dim3A_100 {strides = array<i32>} : memref<16x64xf32, #tpu.memory_space<vmem>>, vector<16xf32>,
      %broadcast_in_dim3A_105 = arith.constant 0.000000e+00 : f32
      %broadcast_in_dim3A_106 = vector.broadcast %broadcast_in_dim3A_105 : f32 to vector<16xf32>
      %swap3A_107 = arith.constant 4 : i32
      %swap3A_108 = arith.index_cast %swap3A_107 : i32 to index
      %swap3A_109 = arith.constant 16 : index
      %swap3A_110 = tpu.vector_load %arg7[%swap3A_108, %swap3A_109] {strides = array<i32>} : memref<16x64xf32, #tpu.memory_space<vmem>>, vector<16xf32>,
      tpu.vector_store %arg7[%swap3A_108, %swap3A_109], %broadcast_in_dim3A_106 {strides = array<i32>} : memref<16x64xf32, #tpu.memory_space<vmem>>, vector<16xf32>,
      %broadcast_in_dim3A_111 = arith.constant 0.000000e+00 : f32
      %broadcast_in_dim3A_112 = vector.broadcast %broadcast_in_dim3A_111 : f32 to vector<16xf32>
      %swap3A_113 = arith.constant 4 : i32
      %swap3A_114 = arith.index_cast %swap3A_113 : i32 to index
      %swap3A_115 = arith.constant 32 : index
      %swap3A_116 = tpu.vector_load %arg7[%swap3A_114, %swap3A_115] {strides = array<i32>} : memref<16x64xf32, #tpu.memory_space<vmem>>, vector<16xf32>,
      tpu.vector_store %arg7[%swap3A_114, %swap3A_115], %broadcast_in_dim3A_112 {strides = array<i32>} : memref<16x64xf32, #tpu.memory_space<vmem>>, vector<16xf32>,
      %broadcast_in_dim3A_117 = arith.constant 0.000000e+00 : f32
      %broadcast_in_dim3A_118 = vector.broadcast %broadcast_in_dim3A_117 : f32 to vector<16xf32>
      %swap3A_119 = arith.constant 4 : i32
      %swap3A_120 = arith.index_cast %swap3A_119 : i32 to index
      %swap3A_121 = arith.constant 48 : index
      %swap3A_122 = tpu.vector_load %arg7[%swap3A_120, %swap3A_121] {strides = array<i32>} : memref<16x64xf32, #tpu.memory_space<vmem>>, vector<16xf32>,
      tpu.vector_store %arg7[%swap3A_120, %swap3A_121], %broadcast_in_dim3A_118 {strides = array<i32>} : memref<16x64xf32, #tpu.memory_space<vmem>>, vector<16xf32>,
      %broadcast_in_dim3A_123 = arith.constant 0.000000e+00 : f32
      %broadcast_in_dim3A_124 = vector.broadcast %broadcast_in_dim3A_123 : f32 to vector<16xf32>
      %swap3A_125 = arith.constant 5 : i32
      %swap3A_126 = arith.index_cast %swap3A_125 : i32 to index
      %swap3A_127 = arith.constant 0 : index
      %swap3A_128 = tpu.vector_load %arg7[%swap3A_126, %swap3A_127] {strides = array<i32>} : memref<16x64xf32, #tpu.memory_space<vmem>>, vector<16xf32>,
      tpu.vector_store %arg7[%swap3A_126, %swap3A_127], %broadcast_in_dim3A_124 {strides = array<i32>} : memref<16x64xf32, #tpu.memory_space<vmem>>, vector<16xf32>,
      %broadcast_in_dim3A_129 = arith.constant 0.000000e+00 : f32
      %broadcast_in_dim3A_130 = vector.broadcast %broadcast_in_dim3A_129 : f32 to vector<16xf32>
      %swap3A_131 = arith.constant 5 : i32
      %swap3A_132 = arith.index_cast %swap3A_131 : i32 to index
      %swap3A_133 = arith.constant 16 : index
      %swap3A_134 = tpu.vector_load %arg7[%swap3A_132, %swap3A_133] {strides = array<i32>} : memref<16x64xf32, #tpu.memory_space<vmem>>, vector<16xf32>,
      tpu.vector_store %arg7[%swap3A_132, %swap3A_133], %broadcast_in_dim3A_130 {strides = array<i32>} : memref<16x64xf32, #tpu.memory_space<vmem>>, vector<16xf32>,
      %broadcast_in_dim3A_135 = arith.constant 0.000000e+00 : f32
      %broadcast_in_dim3A_136 = vector.broadcast %broadcast_in_dim3A_135 : f32 to vector<16xf32>
      %swap3A_137 = arith.constant 5 : i32
      %swap3A_138 = arith.index_cast %swap3A_137 : i32 to index
      %swap3A_139 = arith.constant 32 : index
      %swap3A_140 = tpu.vector_load %arg7[%swap3A_138, %swap3A_139] {strides = array<i32>} : memref<16x64xf32, #tpu.memory_space<vmem>>, vector<16xf32>,
      tpu.vector_store %arg7[%swap3A_138, %swap3A_139], %broadcast_in_dim3A_136 {strides = array<i32>} : memref<16x64xf32, #tpu.memory_space<vmem>>, vector<16xf32>,
      %broadcast_in_dim3A_141 = arith.constant 0.000000e+00 : f32
      %broadcast_in_dim3A_142 = vector.broadcast %broadcast_in_dim3A_141 : f32 to vector<16xf32>
      %swap3A_143 = arith.constant 5 : i32
      %swap3A_144 = arith.index_cast %swap3A_143 : i32 to index
      %swap3A_145 = arith.constant 48 : index
      %swap3A_146 = tpu.vector_load %arg7[%swap3A_144, %swap3A_145] {strides = array<i32>} : memref<16x64xf32, #tpu.memory_space<vmem>>, vector<16xf32>,
      tpu.vector_store %arg7[%swap3A_144, %swap3A_145], %broadcast_in_dim3A_142 {strides = array<i32>} : memref<16x64xf32, #tpu.memory_space<vmem>>, vector<16xf32>,
      %broadcast_in_dim3A_147 = arith.constant 0.000000e+00 : f32
      %broadcast_in_dim3A_148 = vector.broadcast %broadcast_in_dim3A_147 : f32 to vector<16xf32>
      %swap3A_149 = arith.constant 6 : i32
      %swap3A_150 = arith.index_cast %swap3A_149 : i32 to index
      %swap3A_151 = arith.constant 0 : index
      %swap3A_152 = tpu.vector_load %arg7[%swap3A_150, %swap3A_151] {strides = array<i32>} : memref<16x64xf32, #tpu.memory_space<vmem>>, vector<16xf32>,
      tpu.vector_store %arg7[%swap3A_150, %swap3A_151], %broadcast_in_dim3A_148 {strides = array<i32>} : memref<16x64xf32, #tpu.memory_space<vmem>>, vector<16xf32>,
      %broadcast_in_dim3A_153 = arith.constant 0.000000e+00 : f32
      %broadcast_in_dim3A_154 = vector.broadcast %broadcast_in_dim3A_153 : f32 to vector<16xf32>
      %swap3A_155 = arith.constant 6 : i32
      %swap3A_156 = arith.index_cast %swap3A_155 : i32 to index
      %swap3A_157 = arith.constant 16 : index
      %swap3A_158 = tpu.vector_load %arg7[%swap3A_156, %swap3A_157] {strides = array<i32>} : memref<16x64xf32, #tpu.memory_space<vmem>>, vector<16xf32>,
      tpu.vector_store %arg7[%swap3A_156, %swap3A_157], %broadcast_in_dim3A_154 {strides = array<i32>} : memref<16x64xf32, #tpu.memory_space<vmem>>, vector<16xf32>,
      %broadcast_in_dim3A_159 = arith.constant 0.000000e+00 : f32
      %broadcast_in_dim3A_160 = vector.broadcast %broadcast_in_dim3A_159 : f32 to vector<16xf32>
      %swap3A_161 = arith.constant 6 : i32
      %swap3A_162 = arith.index_cast %swap3A_161 : i32 to index
      %swap3A_163 = arith.constant 32 : index
      %swap3A_164 = tpu.vector_load %arg7[%swap3A_162, %swap3A_163] {strides = array<i32>} : memref<16x64xf32, #tpu.memory_space<vmem>>, vector<16xf32>,
      tpu.vector_store %arg7[%swap3A_162, %swap3A_163], %broadcast_in_dim3A_160 {strides = array<i32>} : memref<16x64xf32, #tpu.memory_space<vmem>>, vector<16xf32>,
      %broadcast_in_dim3A_165 = arith.constant 0.000000e+00 : f32
      %broadcast_in_dim3A_166 = vector.broadcast %broadcast_in_dim3A_165 : f32 to vector<16xf32>
      %swap3A_167 = arith.constant 6 : i32
      %swap3A_168 = arith.index_cast %swap3A_167 : i32 to index
      %swap3A_169 = arith.constant 48 : index
      %swap3A_170 = tpu.vector_load %arg7[%swap3A_168, %swap3A_169] {strides = array<i32>} : memref<16x64xf32, #tpu.memory_space<vmem>>, vector<16xf32>,
      tpu.vector_store %arg7[%swap3A_168, %swap3A_169], %broadcast_in_dim3A_166 {strides = array<i32>} : memref<16x64xf32, #tpu.memory_space<vmem>>, vector<16xf32>,
      %broadcast_in_dim3A_171 = arith.constant 0.000000e+00 : f32
      %broadcast_in_dim3A_172 = vector.broadcast %broadcast_in_dim3A_171 : f32 to vector<16xf32>
      %swap3A_173 = arith.constant 7 : i32
      %swap3A_174 = arith.index_cast %swap3A_173 : i32 to index
      %swap3A_175 = arith.constant 0 : index
      %swap3A_176 = tpu.vector_load %arg7[%swap3A_174, %swap3A_175] {strides = array<i32>} : memref<16x64xf32, #tpu.memory_space<vmem>>, vector<16xf32>,
      tpu.vector_store %arg7[%swap3A_174, %swap3A_175], %broadcast_in_dim3A_172 {strides = array<i32>} : memref<16x64xf32, #tpu.memory_space<vmem>>, vector<16xf32>,
      %broadcast_in_dim3A_177 = arith.constant 0.000000e+00 : f32
      %broadcast_in_dim3A_178 = vector.broadcast %broadcast_in_dim3A_177 : f32 to vector<16xf32>
      %swap3A_179 = arith.constant 7 : i32
      %swap3A_180 = arith.index_cast %swap3A_179 : i32 to index
      %swap3A_181 = arith.constant 16 : index
      %swap3A_182 = tpu.vector_load %arg7[%swap3A_180, %swap3A_181] {strides = array<i32>} : memref<16x64xf32, #tpu.memory_space<vmem>>, vector<16xf32>,
      tpu.vector_store %arg7[%swap3A_180, %swap3A_181], %broadcast_in_dim3A_178 {strides = array<i32>} : memref<16x64xf32, #tpu.memory_space<vmem>>, vector<16xf32>,
      %broadcast_in_dim3A_183 = arith.constant 0.000000e+00 : f32
      %broadcast_in_dim3A_184 = vector.broadcast %broadcast_in_dim3A_183 : f32 to vector<16xf32>
      %swap3A_185 = arith.constant 7 : i32
      %swap3A_186 = arith.index_cast %swap3A_185 : i32 to index
      %swap3A_187 = arith.constant 32 : index
      %swap3A_188 = tpu.vector_load %arg7[%swap3A_186, %swap3A_187] {strides = array<i32>} : memref<16x64xf32, #tpu.memory_space<vmem>>, vector<16xf32>,
      tpu.vector_store %arg7[%swap3A_186, %swap3A_187], %broadcast_in_dim3A_184 {strides = array<i32>} : memref<16x64xf32, #tpu.memory_space<vmem>>, vector<16xf32>,
      %broadcast_in_dim3A_189 = arith.constant 0.000000e+00 : f32
      %broadcast_in_dim3A_190 = vector.broadcast %broadcast_in_dim3A_189 : f32 to vector<16xf32>
      %swap3A_191 = arith.constant 7 : i32
      %swap3A_192 = arith.index_cast %swap3A_191 : i32 to index
      %swap3A_193 = arith.constant 48 : index
      %swap3A_194 = tpu.vector_load %arg7[%swap3A_192, %swap3A_193] {strides = array<i32>} : memref<16x64xf32, #tpu.memory_space<vmem>>, vector<16xf32>,
      tpu.vector_store %arg7[%swap3A_192, %swap3A_193], %broadcast_in_dim3A_190 {strides = array<i32>} : memref<16x64xf32, #tpu.memory_space<vmem>>, vector<16xf32>,
      %broadcast_in_dim3A_195 = arith.constant 0.000000e+00 : f32
      %broadcast_in_dim3A_196 = vector.broadcast %broadcast_in_dim3A_195 : f32 to vector<16xf32>
      %swap3A_197 = arith.constant 8 : i32
      %swap3A_198 = arith.index_cast %swap3A_197 : i32 to index
      %swap3A_199 = arith.constant 0 : index
      %swap3A_200 = tpu.vector_load %arg7[%swap3A_198, %swap3A_199] {strides = array<i32>} : memref<16x64xf32, #tpu.memory_space<vmem>>, vector<16xf32>,
      tpu.vector_store %arg7[%swap3A_198, %swap3A_199], %broadcast_in_dim3A_196 {strides = array<i32>} : memref<16x64xf32, #tpu.memory_space<vmem>>, vector<16xf32>,
      %broadcast_in_dim3A_201 = arith.constant 0.000000e+00 : f32
      %broadcast_in_dim3A_202 = vector.broadcast %broadcast_in_dim3A_201 : f32 to vector<16xf32>
      %swap3A_203 = arith.constant 8 : i32
      %swap3A_204 = arith.index_cast %swap3A_203 : i32 to index
      %swap3A_205 = arith.constant 16 : index
      %swap3A_206 = tpu.vector_load %arg7[%swap3A_204, %swap3A_205] {strides = array<i32>} : memref<16x64xf32, #tpu.memory_space<vmem>>, vector<16xf32>,
      tpu.vector_store %arg7[%swap3A_204, %swap3A_205], %broadcast_in_dim3A_202 {strides = array<i32>} : memref<16x64xf32, #tpu.memory_space<vmem>>, vector<16xf32>,
      %broadcast_in_dim3A_207 = arith.constant 0.000000e+00 : f32
      %broadcast_in_dim3A_208 = vector.broadcast %broadcast_in_dim3A_207 : f32 to vector<16xf32>
      %swap3A_209 = arith.constant 8 : i32
      %swap3A_210 = arith.index_cast %swap3A_209 : i32 to index
      %swap3A_211 = arith.constant 32 : index
      %swap3A_212 = tpu.vector_load %arg7[%swap3A_210, %swap3A_211] {strides = array<i32>} : memref<16x64xf32, #tpu.memory_space<vmem>>, vector<16xf32>,
      tpu.vector_store %arg7[%swap3A_210, %swap3A_211], %broadcast_in_dim3A_208 {strides = array<i32>} : memref<16x64xf32, #tpu.memory_space<vmem>>, vector<16xf32>,
      %broadcast_in_dim3A_213 = arith.constant 0.000000e+00 : f32
      %broadcast_in_dim3A_214 = vector.broadcast %broadcast_in_dim3A_213 : f32 to vector<16xf32>
      %swap3A_215 = arith.constant 8 : i32
      %swap3A_216 = arith.index_cast %swap3A_215 : i32 to index
      %swap3A_217 = arith.constant 48 : index
      %swap3A_218 = tpu.vector_load %arg7[%swap3A_216, %swap3A_217] {strides = array<i32>} : memref<16x64xf32, #tpu.memory_space<vmem>>, vector<16xf32>,
      tpu.vector_store %arg7[%swap3A_216, %swap3A_217], %broadcast_in_dim3A_214 {strides = array<i32>} : memref<16x64xf32, #tpu.memory_space<vmem>>, vector<16xf32>,
      %broadcast_in_dim3A_219 = arith.constant 0.000000e+00 : f32
      %broadcast_in_dim3A_220 = vector.broadcast %broadcast_in_dim3A_219 : f32 to vector<16xf32>
      %swap3A_221 = arith.constant 9 : i32
      %swap3A_222 = arith.index_cast %swap3A_221 : i32 to index
      %swap3A_223 = arith.constant 0 : index
      %swap3A_224 = tpu.vector_load %arg7[%swap3A_222, %swap3A_223] {strides = array<i32>} : memref<16x64xf32, #tpu.memory_space<vmem>>, vector<16xf32>,
      tpu.vector_store %arg7[%swap3A_222, %swap3A_223], %broadcast_in_dim3A_220 {strides = array<i32>} : memref<16x64xf32, #tpu.memory_space<vmem>>, vector<16xf32>,
      %broadcast_in_dim3A_225 = arith.constant 0.000000e+00 : f32
      %broadcast_in_dim3A_226 = vector.broadcast %broadcast_in_dim3A_225 : f32 to vector<16xf32>
      %swap3A_227 = arith.constant 9 : i32
      %swap3A_228 = arith.index_cast %swap3A_227 : i32 to index
      %swap3A_229 = arith.constant 16 : index
      %swap3A_230 = tpu.vector_load %arg7[%swap3A_228, %swap3A_229] {strides = array<i32>} : memref<16x64xf32, #tpu.memory_space<vmem>>, vector<16xf32>,
      tpu.vector_store %arg7[%swap3A_228, %swap3A_229], %broadcast_in_dim3A_226 {strides = array<i32>} : memref<16x64xf32, #tpu.memory_space<vmem>>, vector<16xf32>,
      %broadcast_in_dim3A_231 = arith.constant 0.000000e+00 : f32
      %broadcast_in_dim3A_232 = vector.broadcast %broadcast_in_dim3A_231 : f32 to vector<16xf32>
      %swap3A_233 = arith.constant 9 : i32
      %swap3A_234 = arith.index_cast %swap3A_233 : i32 to index
      %swap3A_235 = arith.constant 32 : index
      %swap3A_236 = tpu.vector_load %arg7[%swap3A_234, %swap3A_235] {strides = array<i32>} : memref<16x64xf32, #tpu.memory_space<vmem>>, vector<16xf32>,
      tpu.vector_store %arg7[%swap3A_234, %swap3A_235], %broadcast_in_dim3A_232 {strides = array<i32>} : memref<16x64xf32, #tpu.memory_space<vmem>>, vector<16xf32>,
      %broadcast_in_dim3A_237 = arith.constant 0.000000e+00 : f32
      %broadcast_in_dim3A_238 = vector.broadcast %broadcast_in_dim3A_237 : f32 to vector<16xf32>
      %swap3A_239 = arith.constant 9 : i32
      %swap3A_240 = arith.index_cast %swap3A_239 : i32 to index
      %swap3A_241 = arith.constant 48 : index
      %swap3A_242 = tpu.vector_load %arg7[%swap3A_240, %swap3A_241] {strides = array<i32>} : memref<16x64xf32, #tpu.memory_space<vmem>>, vector<16xf32>,
      tpu.vector_store %arg7[%swap3A_240, %swap3A_241], %broadcast_in_dim3A_238 {strides = array<i32>} : memref<16x64xf32, #tpu.memory_space<vmem>>, vector<16xf32>,
      %broadcast_in_dim3A_243 = arith.constant 0.000000e+00 : f32
      %broadcast_in_dim3A_244 = vector.broadcast %broadcast_in_dim3A_243 : f32 to vector<16xf32>
      %swap3A_245 = arith.constant 10 : i32
      %swap3A_246 = arith.index_cast %swap3A_245 : i32 to index
      %swap3A_247 = arith.constant 0 : index
      %swap3A_248 = tpu.vector_load %arg7[%swap3A_246, %swap3A_247] {strides = array<i32>} : memref<16x64xf32, #tpu.memory_space<vmem>>, vector<16xf32>,
      tpu.vector_store %arg7[%swap3A_246, %swap3A_247], %broadcast_in_dim3A_244 {strides = array<i32>} : memref<16x64xf32, #tpu.memory_space<vmem>>, vector<16xf32>,
      %broadcast_in_dim3A_249 = arith.constant 0.000000e+00 : f32
      %broadcast_in_dim3A_250 = vector.broadcast %broadcast_in_dim3A_249 : f32 to vector<16xf32>
      %swap3A_251 = arith.constant 10 : i32
      %swap3A_252 = arith.index_cast %swap3A_251 : i32 to index
      %swap3A_253 = arith.constant 16 : index
      %swap3A_254 = tpu.vector_load %arg7[%swap3A_252, %swap3A_253] {strides = array<i32>} : memref<16x64xf32, #tpu.memory_space<vmem>>, vector<16xf32>,
      tpu.vector_store %arg7[%swap3A_252, %swap3A_253], %broadcast_in_dim3A_250 {strides = array<i32>} : memref<16x64xf32, #tpu.memory_space<vmem>>, vector<16xf32>,
      %broadcast_in_dim3A_255 = arith.constant 0.000000e+00 : f32
      %broadcast_in_dim3A_256 = vector.broadcast %broadcast_in_dim3A_255 : f32 to vector<16xf32>
      %swap3A_257 = arith.constant 10 : i32
      %swap3A_258 = arith.index_cast %swap3A_257 : i32 to index
      %swap3A_259 = arith.constant 32 : index
      %swap3A_260 = tpu.vector_load %arg7[%swap3A_258, %swap3A_259] {strides = array<i32>} : memref<16x64xf32, #tpu.memory_space<vmem>>, vector<16xf32>,
      tpu.vector_store %arg7[%swap3A_258, %swap3A_259], %broadcast_in_dim3A_256 {strides = array<i32>} : memref<16x64xf32, #tpu.memory_space<vmem>>, vector<16xf32>,
      %broadcast_in_dim3A_261 = arith.constant 0.000000e+00 : f32
      %broadcast_in_dim3A_262 = vector.broadcast %broadcast_in_dim3A_261 : f32 to vector<16xf32>
      %swap3A_263 = arith.constant 10 : i32
      %swap3A_264 = arith.index_cast %swap3A_263 : i32 to index
      %swap3A_265 = arith.constant 48 : index
      %swap3A_266 = tpu.vector_load %arg7[%swap3A_264, %swap3A_265] {strides = array<i32>} : memref<16x64xf32, #tpu.memory_space<vmem>>, vector<16xf32>,
      tpu.vector_store %arg7[%swap3A_264, %swap3A_265], %broadcast_in_dim3A_262 {strides = array<i32>} : memref<16x64xf32, #tpu.memory_space<vmem>>, vector<16xf32>,
      %broadcast_in_dim3A_267 = arith.constant 0.000000e+00 : f32
      %broadcast_in_dim3A_268 = vector.broadcast %broadcast_in_dim3A_267 : f32 to vector<16xf32>
      %swap3A_269 = arith.constant 11 : i32
      %swap3A_270 = arith.index_cast %swap3A_269 : i32 to index
      %swap3A_271 = arith.constant 0 : index
      %swap3A_272 = tpu.vector_load %arg7[%swap3A_270, %swap3A_271] {strides = array<i32>} : memref<16x64xf32, #tpu.memory_space<vmem>>, vector<16xf32>,
      tpu.vector_store %arg7[%swap3A_270, %swap3A_271], %broadcast_in_dim3A_268 {strides = array<i32>} : memref<16x64xf32, #tpu.memory_space<vmem>>, vector<16xf32>,
      %broadcast_in_dim3A_273 = arith.constant 0.000000e+00 : f32
      %broadcast_in_dim3A_274 = vector.broadcast %broadcast_in_dim3A_273 : f32 to vector<16xf32>
      %swap3A_275 = arith.constant 11 : i32
      %swap3A_276 = arith.index_cast %swap3A_275 : i32 to index
      %swap3A_277 = arith.constant 16 : index
      %swap3A_278 = tpu.vector_load %arg7[%swap3A_276, %swap3A_277] {strides = array<i32>} : memref<16x64xf32, #tpu.memory_space<vmem>>, vector<16xf32>,
      tpu.vector_store %arg7[%swap3A_276, %swap3A_277], %broadcast_in_dim3A_274 {strides = array<i32>} : memref<16x64xf32, #tpu.memory_space<vmem>>, vector<16xf32>,
      %broadcast_in_dim3A_279 = arith.constant 0.000000e+00 : f32
      %broadcast_in_dim3A_280 = vector.broadcast %broadcast_in_dim3A_279 : f32 to vector<16xf32>
      %swap3A_281 = arith.constant 11 : i32
      %swap3A_282 = arith.index_cast %swap3A_281 : i32 to index
      %swap3A_283 = arith.constant 32 : index
      %swap3A_284 = tpu.vector_load %arg7[%swap3A_282, %swap3A_283] {strides = array<i32>} : memref<16x64xf32, #tpu.memory_space<vmem>>, vector<16xf32>,
      tpu.vector_store %arg7[%swap3A_282, %swap3A_283], %broadcast_in_dim3A_280 {strides = array<i32>} : memref<16x64xf32, #tpu.memory_space<vmem>>, vector<16xf32>,
      %broadcast_in_dim3A_285 = arith.constant 0.000000e+00 : f32
      %broadcast_in_dim3A_286 = vector.broadcast %broadcast_in_dim3A_285 : f32 to vector<16xf32>
      %swap3A_287 = arith.constant 11 : i32
      %swap3A_288 = arith.index_cast %swap3A_287 : i32 to index
      %swap3A_289 = arith.constant 48 : index
      %swap3A_290 = tpu.vector_load %arg7[%swap3A_288, %swap3A_289] {strides = array<i32>} : memref<16x64xf32, #tpu.memory_space<vmem>>, vector<16xf32>,
      tpu.vector_store %arg7[%swap3A_288, %swap3A_289], %broadcast_in_dim3A_286 {strides = array<i32>} : memref<16x64xf32, #tpu.memory_space<vmem>>, vector<16xf32>,
      %broadcast_in_dim3A_291 = arith.constant 0.000000e+00 : f32
      %broadcast_in_dim3A_292 = vector.broadcast %broadcast_in_dim3A_291 : f32 to vector<16xf32>
      %swap3A_293 = arith.constant 12 : i32
      %swap3A_294 = arith.index_cast %swap3A_293 : i32 to index
      %swap3A_295 = arith.constant 0 : index
      %swap3A_296 = tpu.vector_load %arg7[%swap3A_294, %swap3A_295] {strides = array<i32>} : memref<16x64xf32, #tpu.memory_space<vmem>>, vector<16xf32>,
      tpu.vector_store %arg7[%swap3A_294, %swap3A_295], %broadcast_in_dim3A_292 {strides = array<i32>} : memref<16x64xf32, #tpu.memory_space<vmem>>, vector<16xf32>,
      %broadcast_in_dim3A_297 = arith.constant 0.000000e+00 : f32
      %broadcast_in_dim3A_298 = vector.broadcast %broadcast_in_dim3A_297 : f32 to vector<16xf32>
      %swap3A_299 = arith.constant 12 : i32
      %swap3A_300 = arith.index_cast %swap3A_299 : i32 to index
      %swap3A_301 = arith.constant 16 : index
      %swap3A_302 = tpu.vector_load %arg7[%swap3A_300, %swap3A_301] {strides = array<i32>} : memref<16x64xf32, #tpu.memory_space<vmem>>, vector<16xf32>,
      tpu.vector_store %arg7[%swap3A_300, %swap3A_301], %broadcast_in_dim3A_298 {strides = array<i32>} : memref<16x64xf32, #tpu.memory_space<vmem>>, vector<16xf32>,
      %broadcast_in_dim3A_303 = arith.constant 0.000000e+00 : f32
      %broadcast_in_dim3A_304 = vector.broadcast %broadcast_in_dim3A_303 : f32 to vector<16xf32>
      %swap3A_305 = arith.constant 12 : i32
      %swap3A_306 = arith.index_cast %swap3A_305 : i32 to index
      %swap3A_307 = arith.constant 32 : index
      %swap3A_308 = tpu.vector_load %arg7[%swap3A_306, %swap3A_307] {strides = array<i32>} : memref<16x64xf32, #tpu.memory_space<vmem>>, vector<16xf32>,
      tpu.vector_store %arg7[%swap3A_306, %swap3A_307], %broadcast_in_dim3A_304 {strides = array<i32>} : memref<16x64xf32, #tpu.memory_space<vmem>>, vector<16xf32>,
      %broadcast_in_dim3A_309 = arith.constant 0.000000e+00 : f32
      %broadcast_in_dim3A_310 = vector.broadcast %broadcast_in_dim3A_309 : f32 to vector<16xf32>
      %swap3A_311 = arith.constant 12 : i32
      %swap3A_312 = arith.index_cast %swap3A_311 : i32 to index
      %swap3A_313 = arith.constant 48 : index
      %swap3A_314 = tpu.vector_load %arg7[%swap3A_312, %swap3A_313] {strides = array<i32>} : memref<16x64xf32, #tpu.memory_space<vmem>>, vector<16xf32>,
      tpu.vector_store %arg7[%swap3A_312, %swap3A_313], %broadcast_in_dim3A_310 {strides = array<i32>} : memref<16x64xf32, #tpu.memory_space<vmem>>, vector<16xf32>,
      %broadcast_in_dim3A_315 = arith.constant 0.000000e+00 : f32
      %broadcast_in_dim3A_316 = vector.broadcast %broadcast_in_dim3A_315 : f32 to vector<16xf32>
      %swap3A_317 = arith.constant 13 : i32
      %swap3A_318 = arith.index_cast %swap3A_317 : i32 to index
      %swap3A_319 = arith.constant 0 : index
      %swap3A_320 = tpu.vector_load %arg7[%swap3A_318, %swap3A_319] {strides = array<i32>} : memref<16x64xf32, #tpu.memory_space<vmem>>, vector<16xf32>,
      tpu.vector_store %arg7[%swap3A_318, %swap3A_319], %broadcast_in_dim3A_316 {strides = array<i32>} : memref<16x64xf32, #tpu.memory_space<vmem>>, vector<16xf32>,
      %broadcast_in_dim3A_321 = arith.constant 0.000000e+00 : f32
      %broadcast_in_dim3A_322 = vector.broadcast %broadcast_in_dim3A_321 : f32 to vector<16xf32>
      %swap3A_323 = arith.constant 13 : i32
      %swap3A_324 = arith.index_cast %swap3A_323 : i32 to index
      %swap3A_325 = arith.constant 16 : index
      %swap3A_326 = tpu.vector_load %arg7[%swap3A_324, %swap3A_325] {strides = array<i32>} : memref<16x64xf32, #tpu.memory_space<vmem>>, vector<16xf32>,
      tpu.vector_store %arg7[%swap3A_324, %swap3A_325], %broadcast_in_dim3A_322 {strides = array<i32>} : memref<16x64xf32, #tpu.memory_space<vmem>>, vector<16xf32>,
      %broadcast_in_dim3A_327 = arith.constant 0.000000e+00 : f32
      %broadcast_in_dim3A_328 = vector.broadcast %broadcast_in_dim3A_327 : f32 to vector<16xf32>
      %swap3A_329 = arith.constant 13 : i32
      %swap3A_330 = arith.index_cast %swap3A_329 : i32 to index
      %swap3A_331 = arith.constant 32 : index
      %swap3A_332 = tpu.vector_load %arg7[%swap3A_330, %swap3A_331] {strides = array<i32>} : memref<16x64xf32, #tpu.memory_space<vmem>>, vector<16xf32>,
      tpu.vector_store %arg7[%swap3A_330, %swap3A_331], %broadcast_in_dim3A_328 {strides = array<i32>} : memref<16x64xf32, #tpu.memory_space<vmem>>, vector<16xf32>,
      %broadcast_in_dim3A_333 = arith.constant 0.000000e+00 : f32
      %broadcast_in_dim3A_334 = vector.broadcast %broadcast_in_dim3A_333 : f32 to vector<16xf32>
      %swap3A_335 = arith.constant 13 : i32
      %swap3A_336 = arith.index_cast %swap3A_335 : i32 to index
      %swap3A_337 = arith.constant 48 : index
      %swap3A_338 = tpu.vector_load %arg7[%swap3A_336, %swap3A_337] {strides = array<i32>} : memref<16x64xf32, #tpu.memory_space<vmem>>, vector<16xf32>,
      tpu.vector_store %arg7[%swap3A_336, %swap3A_337], %broadcast_in_dim3A_334 {strides = array<i32>} : memref<16x64xf32, #tpu.memory_space<vmem>>, vector<16xf32>,
      %broadcast_in_dim3A_339 = arith.constant 0.000000e+00 : f32
      %broadcast_in_dim3A_340 = vector.broadcast %broadcast_in_dim3A_339 : f32 to vector<16xf32>
      %swap3A_341 = arith.constant 14 : i32
      %swap3A_342 = arith.index_cast %swap3A_341 : i32 to index
      %swap3A_343 = arith.constant 0 : index
      %swap3A_344 = tpu.vector_load %arg7[%swap3A_342, %swap3A_343] {strides = array<i32>} : memref<16x64xf32, #tpu.memory_space<vmem>>, vector<16xf32>,
      tpu.vector_store %arg7[%swap3A_342, %swap3A_343], %broadcast_in_dim3A_340 {strides = array<i32>} : memref<16x64xf32, #tpu.memory_space<vmem>>, vector<16xf32>,
      %broadcast_in_dim3A_345 = arith.constant 0.000000e+00 : f32
      %broadcast_in_dim3A_346 = vector.broadcast %broadcast_in_dim3A_345 : f32 to vector<16xf32>
      %swap3A_347 = arith.constant 14 : i32
      %swap3A_348 = arith.index_cast %swap3A_347 : i32 to index
      %swap3A_349 = arith.constant 16 : index
      %swap3A_350 = tpu.vector_load %arg7[%swap3A_348, %swap3A_349] {strides = array<i32>} : memref<16x64xf32, #tpu.memory_space<vmem>>, vector<16xf32>,
      tpu.vector_store %arg7[%swap3A_348, %swap3A_349], %broadcast_in_dim3A_346 {strides = array<i32>} : memref<16x64xf32, #tpu.memory_space<vmem>>, vector<16xf32>,
      %broadcast_in_dim3A_351 = arith.constant 0.000000e+00 : f32
      %broadcast_in_dim3A_352 = vector.broadcast %broadcast_in_dim3A_351 : f32 to vector<16xf32>
      %swap3A_353 = arith.constant 14 : i32
      %swap3A_354 = arith.index_cast %swap3A_353 : i32 to index
      %swap3A_355 = arith.constant 32 : index
      %swap3A_356 = tpu.vector_load %arg7[%swap3A_354, %swap3A_355] {strides = array<i32>} : memref<16x64xf32, #tpu.memory_space<vmem>>, vector<16xf32>,
      tpu.vector_store %arg7[%swap3A_354, %swap3A_355], %broadcast_in_dim3A_352 {strides = array<i32>} : memref<16x64xf32, #tpu.memory_space<vmem>>, vector<16xf32>,
      %broadcast_in_dim3A_357 = arith.constant 0.000000e+00 : f32
      %broadcast_in_dim3A_358 = vector.broadcast %broadcast_in_dim3A_357 : f32 to vector<16xf32>
      %swap3A_359 = arith.constant 14 : i32
      %swap3A_360 = arith.index_cast %swap3A_359 : i32 to index
      %swap3A_361 = arith.constant 48 : index
      %swap3A_362 = tpu.vector_load %arg7[%swap3A_360, %swap3A_361] {strides = array<i32>} : memref<16x64xf32, #tpu.memory_space<vmem>>, vector<16xf32>,
      tpu.vector_store %arg7[%swap3A_360, %swap3A_361], %broadcast_in_dim3A_358 {strides = array<i32>} : memref<16x64xf32, #tpu.memory_space<vmem>>, vector<16xf32>,
      %broadcast_in_dim3A_363 = arith.constant 0.000000e+00 : f32
      %broadcast_in_dim3A_364 = vector.broadcast %broadcast_in_dim3A_363 : f32 to vector<16xf32>
      %swap3A_365 = arith.constant 15 : i32
      %swap3A_366 = arith.index_cast %swap3A_365 : i32 to index
      %swap3A_367 = arith.constant 0 : index
      %swap3A_368 = tpu.vector_load %arg7[%swap3A_366, %swap3A_367] {strides = array<i32>} : memref<16x64xf32, #tpu.memory_space<vmem>>, vector<16xf32>,
      tpu.vector_store %arg7[%swap3A_366, %swap3A_367], %broadcast_in_dim3A_364 {strides = array<i32>} : memref<16x64xf32, #tpu.memory_space<vmem>>, vector<16xf32>,
      %broadcast_in_dim3A_369 = arith.constant 0.000000e+00 : f32
      %broadcast_in_dim3A_370 = vector.broadcast %broadcast_in_dim3A_369 : f32 to vector<16xf32>
      %swap3A_371 = arith.constant 15 : i32
      %swap3A_372 = arith.index_cast %swap3A_371 : i32 to index
      %swap3A_373 = arith.constant 16 : index
      %swap3A_374 = tpu.vector_load %arg7[%swap3A_372, %swap3A_373] {strides = array<i32>} : memref<16x64xf32, #tpu.memory_space<vmem>>, vector<16xf32>,
      tpu.vector_store %arg7[%swap3A_372, %swap3A_373], %broadcast_in_dim3A_370 {strides = array<i32>} : memref<16x64xf32, #tpu.memory_space<vmem>>, vector<16xf32>,
      %broadcast_in_dim3A_375 = arith.constant 0.000000e+00 : f32
      %broadcast_in_dim3A_376 = vector.broadcast %broadcast_in_dim3A_375 : f32 to vector<16xf32>
      %swap3A_377 = arith.constant 15 : i32
      %swap3A_378 = arith.index_cast %swap3A_377 : i32 to index
      %swap3A_379 = arith.constant 32 : index
      %swap3A_380 = tpu.vector_load %arg7[%swap3A_378, %swap3A_379] {strides = array<i32>} : memref<16x64xf32, #tpu.memory_space<vmem>>, vector<16xf32>,
      tpu.vector_store %arg7[%swap3A_378, %swap3A_379], %broadcast_in_dim3A_376 {strides = array<i32>} : memref<16x64xf32, #tpu.memory_space<vmem>>, vector<16xf32>,
      %broadcast_in_dim3A_381 = arith.constant 0.000000e+00 : f32
      %broadcast_in_dim3A_382 = vector.broadcast %broadcast_in_dim3A_381 : f32 to vector<16xf32>
      %swap3A_383 = arith.constant 15 : i32
      %swap3A_384 = arith.index_cast %swap3A_383 : i32 to index
      %swap3A_385 = arith.constant 48 : index
      %swap3A_386 = tpu.vector_load %arg7[%swap3A_384, %swap3A_385] {strides = array<i32>} : memref<16x64xf32, #tpu.memory_space<vmem>>, vector<16xf32>,
      tpu.vector_store %arg7[%swap3A_384, %swap3A_385], %broadcast_in_dim3A_382 {strides = array<i32>} : memref<16x64xf32, #tpu.memory_space<vmem>>, vector<16xf32>,
      %iota3A = tpu.iota {dimensions = array<i32: 0>} : vector<16xi32>
      %run_scoped3A = arith.constant 0 : i32
      "tpu.region"() ({
        %run_scoped3A_397 = tpu.sem_alloc : memref<!tpu.dma_semaphore, #tpu.memory_space<semaphore_mem>>
        %dma_start3A = tpu.memref_slice %arg2[%run_scoped3A, %mul3A_4] : memref<2x256xi32, #tpu.memory_space<hbm>> -> memref<1x16xi32, #tpu.memory_space<hbm>>
        %dma_start3A_398 = tpu.memref_squeeze %dma_start3A : memref<1x16xi32, #tpu.memory_space<hbm>> -> memref<16xi32, #tpu.memory_space<hbm>>
        %dma_start3A_399 = tpu.memref_slice %arg2[%run_scoped3A, %mul3A_4] : memref<2x256xi32, #tpu.memory_space<hbm>> -> memref<1x16xi32, #tpu.memory_space<hbm>>
        %dma_start3A_400 = tpu.memref_squeeze %dma_start3A_399 : memref<1x16xi32, #tpu.memory_space<hbm>> -> memref<16xi32, #tpu.memory_space<hbm>>
        tpu.enqueue_dma source(%dma_start3A_400 : memref<16xi32, #tpu.memory_space<hbm>>) target(%arg5 : memref<16xi32, #tpu.memory_space<vmem>>) target_semaphore(%run_scoped3A_397 : memref<!tpu.dma_semaphore, #tpu.memory_space<semaphore_mem>>)
        %dma_wait3A = tpu.memref_slice %arg2[%run_scoped3A, %mul3A_4] : memref<2x256xi32, #tpu.memory_space<hbm>> -> memref<1x16xi32, #tpu.memory_space<hbm>>
        %dma_wait3A_401 = tpu.memref_squeeze %dma_wait3A : memref<1x16xi32, #tpu.memory_space<hbm>> -> memref<16xi32, #tpu.memory_space<hbm>>
        %dma_wait3A_402 = tpu.memref_slice %arg2[%run_scoped3A, %mul3A_4] : memref<2x256xi32, #tpu.memory_space<hbm>> -> memref<1x16xi32, #tpu.memory_space<hbm>>
        %dma_wait3A_403 = tpu.memref_squeeze %dma_wait3A_402 : memref<1x16xi32, #tpu.memory_space<hbm>> -> memref<16xi32, #tpu.memory_space<hbm>>
        tpu.wait_dma2 semaphore(%run_scoped3A_397 : memref<!tpu.dma_semaphore, #tpu.memory_space<semaphore_mem>>) src(%dma_wait3A_403 : memref<16xi32, #tpu.memory_space<hbm>>) dst(%arg5 : memref<16xi32, #tpu.memory_space<vmem>>)
        tpu.yield
      }) : () -> ()
      %run_scoped3A_387 = arith.constant 0 : i32
      "tpu.region"() ({
        %run_scoped3A_397 = tpu.sem_alloc : memref<!tpu.dma_semaphore, #tpu.memory_space<semaphore_mem>>
        %dma_start3A = tpu.memref_slice %arg3[%run_scoped3A_387, %mul3A_4] : memref<2x256xf32, #tpu.memory_space<hbm>> -> memref<1x16xf32, #tpu.memory_space<hbm>>
        %dma_start3A_398 = tpu.memref_squeeze %dma_start3A : memref<1x16xf32, #tpu.memory_space<hbm>> -> memref<16xf32, #tpu.memory_space<hbm>>
        %dma_start3A_399 = tpu.memref_slice %arg3[%run_scoped3A_387, %mul3A_4] : memref<2x256xf32, #tpu.memory_space<hbm>> -> memref<1x16xf32, #tpu.memory_space<hbm>>
        %dma_start3A_400 = tpu.memref_squeeze %dma_start3A_399 : memref<1x16xf32, #tpu.memory_space<hbm>> -> memref<16xf32, #tpu.memory_space<hbm>>
        tpu.enqueue_dma source(%dma_start3A_400 : memref<16xf32, #tpu.memory_space<hbm>>) target(%arg6 : memref<16xf32, #tpu.memory_space<vmem>>) target_semaphore(%run_scoped3A_397 : memref<!tpu.dma_semaphore, #tpu.memory_space<semaphore_mem>>)
        %dma_wait3A = tpu.memref_slice %arg3[%run_scoped3A_387, %mul3A_4] : memref<2x256xf32, #tpu.memory_space<hbm>> -> memref<1x16xf32, #tpu.memory_space<hbm>>
        %dma_wait3A_401 = tpu.memref_squeeze %dma_wait3A : memref<1x16xf32, #tpu.memory_space<hbm>> -> memref<16xf32, #tpu.memory_space<hbm>>
        %dma_wait3A_402 = tpu.memref_slice %arg3[%run_scoped3A_387, %mul3A_4] : memref<2x256xf32, #tpu.memory_space<hbm>> -> memref<1x16xf32, #tpu.memory_space<hbm>>
        %dma_wait3A_403 = tpu.memref_squeeze %dma_wait3A_402 : memref<1x16xf32, #tpu.memory_space<hbm>> -> memref<16xf32, #tpu.memory_space<hbm>>
        tpu.wait_dma2 semaphore(%run_scoped3A_397 : memref<!tpu.dma_semaphore, #tpu.memory_space<semaphore_mem>>) src(%dma_wait3A_403 : memref<16xf32, #tpu.memory_space<hbm>>) dst(%arg6 : memref<16xf32, #tpu.memory_space<vmem>>)
        tpu.yield
      }) : () -> ()
      %get3A = arith.constant 0 : index
      %get3A_388 = tpu.vector_load %arg5[%get3A] {strides = array<i32>} : memref<16xi32, #tpu.memory_space<vmem>>, vector<16xi32>,
      %get3A_389 = arith.constant 0 : index
      %get3A_390 = tpu.vector_load %arg6[%get3A_389] {strides = array<i32>} : memref<16xf32, #tpu.memory_space<vmem>>, vector<16xf32>,
      tpu.vector_store_idx %arg7[%iota3A, %get3A_388], %get3A_390 {add = true} : memref<16x64xf32, #tpu.memory_space<vmem>>[vector<16xi32>, vector<16xi32>], vector<16xf32>,
      %run_scoped3A_391 = arith.constant 1 : i32
      "tpu.region"() ({
        %run_scoped3A_397 = tpu.sem_alloc : memref<!tpu.dma_semaphore, #tpu.memory_space<semaphore_mem>>
        %dma_start3A = tpu.memref_slice %arg2[%run_scoped3A_391, %mul3A_4] : memref<2x256xi32, #tpu.memory_space<hbm>> -> memref<1x16xi32, #tpu.memory_space<hbm>>
        %dma_start3A_398 = tpu.memref_squeeze %dma_start3A : memref<1x16xi32, #tpu.memory_space<hbm>> -> memref<16xi32, #tpu.memory_space<hbm>>
        %dma_start3A_399 = tpu.memref_slice %arg2[%run_scoped3A_391, %mul3A_4] : memref<2x256xi32, #tpu.memory_space<hbm>> -> memref<1x16xi32, #tpu.memory_space<hbm>>
        %dma_start3A_400 = tpu.memref_squeeze %dma_start3A_399 : memref<1x16xi32, #tpu.memory_space<hbm>> -> memref<16xi32, #tpu.memory_space<hbm>>
        tpu.enqueue_dma source(%dma_start3A_400 : memref<16xi32, #tpu.memory_space<hbm>>) target(%arg5 : memref<16xi32, #tpu.memory_space<vmem>>) target_semaphore(%run_scoped3A_397 : memref<!tpu.dma_semaphore, #tpu.memory_space<semaphore_mem>>)
        %dma_wait3A = tpu.memref_slice %arg2[%run_scoped3A_391, %mul3A_4] : memref<2x256xi32, #tpu.memory_space<hbm>> -> memref<1x16xi32, #tpu.memory_space<hbm>>
        %dma_wait3A_401 = tpu.memref_squeeze %dma_wait3A : memref<1x16xi32, #tpu.memory_space<hbm>> -> memref<16xi32, #tpu.memory_space<hbm>>
        %dma_wait3A_402 = tpu.memref_slice %arg2[%run_scoped3A_391, %mul3A_4] : memref<2x256xi32, #tpu.memory_space<hbm>> -> memref<1x16xi32, #tpu.memory_space<hbm>>
        %dma_wait3A_403 = tpu.memref_squeeze %dma_wait3A_402 : memref<1x16xi32, #tpu.memory_space<hbm>> -> memref<16xi32, #tpu.memory_space<hbm>>
        tpu.wait_dma2 semaphore(%run_scoped3A_397 : memref<!tpu.dma_semaphore, #tpu.memory_space<semaphore_mem>>) src(%dma_wait3A_403 : memref<16xi32, #tpu.memory_space<hbm>>) dst(%arg5 : memref<16xi32, #tpu.memory_space<vmem>>)
        tpu.yield
      }) : () -> ()
      %run_scoped3A_392 = arith.constant 1 : i32
      "tpu.region"() ({
        %run_scoped3A_397 = tpu.sem_alloc : memref<!tpu.dma_semaphore, #tpu.memory_space<semaphore_mem>>
        %dma_start3A = tpu.memref_slice %arg3[%run_scoped3A_392, %mul3A_4] : memref<2x256xf32, #tpu.memory_space<hbm>> -> memref<1x16xf32, #tpu.memory_space<hbm>>
        %dma_start3A_398 = tpu.memref_squeeze %dma_start3A : memref<1x16xf32, #tpu.memory_space<hbm>> -> memref<16xf32, #tpu.memory_space<hbm>>
        %dma_start3A_399 = tpu.memref_slice %arg3[%run_scoped3A_392, %mul3A_4] : memref<2x256xf32, #tpu.memory_space<hbm>> -> memref<1x16xf32, #tpu.memory_space<hbm>>
        %dma_start3A_400 = tpu.memref_squeeze %dma_start3A_399 : memref<1x16xf32, #tpu.memory_space<hbm>> -> memref<16xf32, #tpu.memory_space<hbm>>
        tpu.enqueue_dma source(%dma_start3A_400 : memref<16xf32, #tpu.memory_space<hbm>>) target(%arg6 : memref<16xf32, #tpu.memory_space<vmem>>) target_semaphore(%run_scoped3A_397 : memref<!tpu.dma_semaphore, #tpu.memory_space<semaphore_mem>>)
        %dma_wait3A = tpu.memref_slice %arg3[%run_scoped3A_392, %mul3A_4] : memref<2x256xf32, #tpu.memory_space<hbm>> -> memref<1x16xf32, #tpu.memory_space<hbm>>
        %dma_wait3A_401 = tpu.memref_squeeze %dma_wait3A : memref<1x16xf32, #tpu.memory_space<hbm>> -> memref<16xf32, #tpu.memory_space<hbm>>
        %dma_wait3A_402 = tpu.memref_slice %arg3[%run_scoped3A_392, %mul3A_4] : memref<2x256xf32, #tpu.memory_space<hbm>> -> memref<1x16xf32, #tpu.memory_space<hbm>>
        %dma_wait3A_403 = tpu.memref_squeeze %dma_wait3A_402 : memref<1x16xf32, #tpu.memory_space<hbm>> -> memref<16xf32, #tpu.memory_space<hbm>>
        tpu.wait_dma2 semaphore(%run_scoped3A_397 : memref<!tpu.dma_semaphore, #tpu.memory_space<semaphore_mem>>) src(%dma_wait3A_403 : memref<16xf32, #tpu.memory_space<hbm>>) dst(%arg6 : memref<16xf32, #tpu.memory_space<vmem>>)
        tpu.yield
      }) : () -> ()
      %get3A_393 = arith.constant 0 : index
      %get3A_394 = tpu.vector_load %arg5[%get3A_393] {strides = array<i32>} : memref<16xi32, #tpu.memory_space<vmem>>, vector<16xi32>,
      %get3A_395 = arith.constant 0 : index
      %get3A_396 = tpu.vector_load %arg6[%get3A_395] {strides = array<i32>} : memref<16xf32, #tpu.memory_space<vmem>>, vector<16xf32>,
      tpu.vector_store_idx %arg7[%iota3A, %get3A_394], %get3A_396 {add = true} : memref<16x64xf32, #tpu.memory_space<vmem>>[vector<16xi32>, vector<16xi32>], vector<16xf32>,
      "tpu.region"() ({
        %run_scoped3A_397 = tpu.sem_alloc : memref<!tpu.dma_semaphore, #tpu.memory_space<semaphore_mem>>
        %dma_start3A = arith.constant 0 : i32
        %dma_start3A_398 = tpu.memref_slice %arg4[%mul3A_4, %dma_start3A] : memref<256x64xf32, #tpu.memory_space<hbm>> -> memref<16x64xf32, #tpu.memory_space<hbm>>
        %dma_start3A_399 = arith.constant 0 : i32
        %dma_start3A_400 = tpu.memref_slice %arg4[%mul3A_4, %dma_start3A_399] : memref<256x64xf32, #tpu.memory_space<hbm>> -> memref<16x64xf32, #tpu.memory_space<hbm>>
        tpu.enqueue_dma source(%arg7 : memref<16x64xf32, #tpu.memory_space<vmem>>) target(%dma_start3A_400 : memref<16x64xf32, #tpu.memory_space<hbm>>) target_semaphore(%run_scoped3A_397 : memref<!tpu.dma_semaphore, #tpu.memory_space<semaphore_mem>>)
        %dma_wait3A = arith.constant 0 : i32
        %dma_wait3A_401 = tpu.memref_slice %arg4[%mul3A_4, %dma_wait3A] : memref<256x64xf32, #tpu.memory_space<hbm>> -> memref<16x64xf32, #tpu.memory_space<hbm>>
        %dma_wait3A_402 = arith.constant 0 : i32
        %dma_wait3A_403 = tpu.memref_slice %arg4[%mul3A_4, %dma_wait3A_402] : memref<256x64xf32, #tpu.memory_space<hbm>> -> memref<16x64xf32, #tpu.memory_space<hbm>>
        tpu.wait_dma2 semaphore(%run_scoped3A_397 : memref<!tpu.dma_semaphore, #tpu.memory_space<semaphore_mem>>) src(%arg7 : memref<16x64xf32, #tpu.memory_space<vmem>>) dst(%dma_wait3A_403 : memref<16x64xf32, #tpu.memory_space<hbm>>)
        tpu.yield
      }) : () -> ()
    } else {
    }
    return
  }
}

module attributes {stable_mosaic.version = 14 : i64} {
  func.func @_moe_kernel(%arg0: memref<256x64xf32, #tpu.memory_space<vmem>>, %arg1: memref<256x768xf32, #tpu.memory_space<vmem>>, %arg2: memref<64xf32, #tpu.memory_space<smem>>, %arg3: memref<64x768x1024xf32, #tpu.memory_space<any>>, %arg4: memref<64x512x768xf32, #tpu.memory_space<any>>, %arg5: memref<256x768xf32, #tpu.memory_space<vmem>>, %arg6: memref<4x768x1024xf32, #tpu.memory_space<vmem>>, %arg7: memref<4x512x768xf32, #tpu.memory_space<vmem>>, %arg8: memref<256x768xbf16, #tpu.memory_space<vmem>>, %arg9: memref<4x2x!tpu.dma_semaphore, #tpu.memory_space<semaphore_mem>>) attributes {dimension_semantics = [], scalar_prefetch = 0 : i64, scratch_operands = 4 : i64, tpu.core_type = #tpu.core_type<tc>} {
    %dma_start3A = arith.constant 0 : i32
    %dma_start3A_0 = arith.constant 0 : i32
    %dma_start3A_1 = arith.constant 0 : i32
    %dma_start3A_2 = arith.constant 0 : i32
    %dma_start3A_3 = tpu.memref_slice %arg9[%dma_start3A_1, %dma_start3A_2] : memref<4x2x!tpu.dma_semaphore, #tpu.memory_space<semaphore_mem>> -> memref<1x1x!tpu.dma_semaphore, #tpu.memory_space<semaphore_mem>>
    %dma_start3A_4 = tpu.memref_squeeze %dma_start3A_3 : memref<1x1x!tpu.dma_semaphore, #tpu.memory_space<semaphore_mem>> -> memref<!tpu.dma_semaphore, #tpu.memory_space<semaphore_mem>>
    %dma_start3A_5 = arith.constant 0 : i32
    %dma_start3A_6 = arith.constant 0 : i32
    %dma_start3A_7 = tpu.memref_slice %arg6[%dma_start3A_0, %dma_start3A_5, %dma_start3A_6] : memref<4x768x1024xf32, #tpu.memory_space<vmem>> -> memref<1x768x1024xf32, #tpu.memory_space<vmem>>
    %dma_start3A_8 = tpu.memref_squeeze %dma_start3A_7 : memref<1x768x1024xf32, #tpu.memory_space<vmem>> -> memref<768x1024xf32, #tpu.memory_space<vmem>>
    %dma_start3A_9 = arith.constant 0 : i32
    %dma_start3A_10 = arith.constant 0 : i32
    %dma_start3A_11 = tpu.memref_slice %arg3[%dma_start3A, %dma_start3A_9, %dma_start3A_10] : memref<64x768x1024xf32, #tpu.memory_space<any>> -> memref<1x768x1024xf32, #tpu.memory_space<any>>
    %dma_start3A_12 = tpu.memref_squeeze %dma_start3A_11 : memref<1x768x1024xf32, #tpu.memory_space<any>> -> memref<768x1024xf32, #tpu.memory_space<any>>
    tpu.enqueue_dma source(%dma_start3A_12 : memref<768x1024xf32, #tpu.memory_space<any>>) target(%dma_start3A_8 : memref<768x1024xf32, #tpu.memory_space<vmem>>) target_semaphore(%dma_start3A_4 : memref<!tpu.dma_semaphore, #tpu.memory_space<semaphore_mem>>)
    %dma_start3A_13 = arith.constant 0 : i32
    %dma_start3A_14 = arith.constant 0 : i32
    %dma_start3A_15 = arith.constant 0 : i32
    %dma_start3A_16 = arith.constant 1 : i32
    %dma_start3A_17 = tpu.memref_slice %arg9[%dma_start3A_15, %dma_start3A_16] : memref<4x2x!tpu.dma_semaphore, #tpu.memory_space<semaphore_mem>> -> memref<1x1x!tpu.dma_semaphore, #tpu.memory_space<semaphore_mem>>
    %dma_start3A_18 = tpu.memref_squeeze %dma_start3A_17 : memref<1x1x!tpu.dma_semaphore, #tpu.memory_space<semaphore_mem>> -> memref<!tpu.dma_semaphore, #tpu.memory_space<semaphore_mem>>
    %dma_start3A_19 = arith.constant 0 : i32
    %dma_start3A_20 = arith.constant 0 : i32
    %dma_start3A_21 = tpu.memref_slice %arg7[%dma_start3A_14, %dma_start3A_19, %dma_start3A_20] : memref<4x512x768xf32, #tpu.memory_space<vmem>> -> memref<1x512x768xf32, #tpu.memory_space<vmem>>
    %dma_start3A_22 = tpu.memref_squeeze %dma_start3A_21 : memref<1x512x768xf32, #tpu.memory_space<vmem>> -> memref<512x768xf32, #tpu.memory_space<vmem>>
    %dma_start3A_23 = arith.constant 0 : i32
    %dma_start3A_24 = arith.constant 0 : i32
    %dma_start3A_25 = tpu.memref_slice %arg4[%dma_start3A_13, %dma_start3A_23, %dma_start3A_24] : memref<64x512x768xf32, #tpu.memory_space<any>> -> memref<1x512x768xf32, #tpu.memory_space<any>>
    %dma_start3A_26 = tpu.memref_squeeze %dma_start3A_25 : memref<1x512x768xf32, #tpu.memory_space<any>> -> memref<512x768xf32, #tpu.memory_space<any>>
    tpu.enqueue_dma source(%dma_start3A_26 : memref<512x768xf32, #tpu.memory_space<any>>) target(%dma_start3A_22 : memref<512x768xf32, #tpu.memory_space<vmem>>) target_semaphore(%dma_start3A_18 : memref<!tpu.dma_semaphore, #tpu.memory_space<semaphore_mem>>)
    %dma_start3A_27 = arith.constant 1 : i32
    %dma_start3A_28 = arith.constant 1 : i32
    %dma_start3A_29 = arith.constant 1 : i32
    %dma_start3A_30 = arith.constant 0 : i32
    %dma_start3A_31 = tpu.memref_slice %arg9[%dma_start3A_29, %dma_start3A_30] : memref<4x2x!tpu.dma_semaphore, #tpu.memory_space<semaphore_mem>> -> memref<1x1x!tpu.dma_semaphore, #tpu.memory_space<semaphore_mem>>
    %dma_start3A_32 = tpu.memref_squeeze %dma_start3A_31 : memref<1x1x!tpu.dma_semaphore, #tpu.memory_space<semaphore_mem>> -> memref<!tpu.dma_semaphore, #tpu.memory_space<semaphore_mem>>
    %dma_start3A_33 = arith.constant 0 : i32
    %dma_start3A_34 = arith.constant 0 : i32
    %dma_start3A_35 = tpu.memref_slice %arg6[%dma_start3A_28, %dma_start3A_33, %dma_start3A_34] : memref<4x768x1024xf32, #tpu.memory_space<vmem>> -> memref<1x768x1024xf32, #tpu.memory_space<vmem>>
    %dma_start3A_36 = tpu.memref_squeeze %dma_start3A_35 : memref<1x768x1024xf32, #tpu.memory_space<vmem>> -> memref<768x1024xf32, #tpu.memory_space<vmem>>
    %dma_start3A_37 = arith.constant 0 : i32
    %dma_start3A_38 = arith.constant 0 : i32
    %dma_start3A_39 = tpu.memref_slice %arg3[%dma_start3A_27, %dma_start3A_37, %dma_start3A_38] : memref<64x768x1024xf32, #tpu.memory_space<any>> -> memref<1x768x1024xf32, #tpu.memory_space<any>>
    %dma_start3A_40 = tpu.memref_squeeze %dma_start3A_39 : memref<1x768x1024xf32, #tpu.memory_space<any>> -> memref<768x1024xf32, #tpu.memory_space<any>>
    tpu.enqueue_dma source(%dma_start3A_40 : memref<768x1024xf32, #tpu.memory_space<any>>) target(%dma_start3A_36 : memref<768x1024xf32, #tpu.memory_space<vmem>>) target_semaphore(%dma_start3A_32 : memref<!tpu.dma_semaphore, #tpu.memory_space<semaphore_mem>>)
    %dma_start3A_41 = arith.constant 1 : i32
    %dma_start3A_42 = arith.constant 1 : i32
    %dma_start3A_43 = arith.constant 1 : i32
    %dma_start3A_44 = arith.constant 1 : i32
    %dma_start3A_45 = tpu.memref_slice %arg9[%dma_start3A_43, %dma_start3A_44] : memref<4x2x!tpu.dma_semaphore, #tpu.memory_space<semaphore_mem>> -> memref<1x1x!tpu.dma_semaphore, #tpu.memory_space<semaphore_mem>>
    %dma_start3A_46 = tpu.memref_squeeze %dma_start3A_45 : memref<1x1x!tpu.dma_semaphore, #tpu.memory_space<semaphore_mem>> -> memref<!tpu.dma_semaphore, #tpu.memory_space<semaphore_mem>>
    %dma_start3A_47 = arith.constant 0 : i32
    %dma_start3A_48 = arith.constant 0 : i32
    %dma_start3A_49 = tpu.memref_slice %arg7[%dma_start3A_42, %dma_start3A_47, %dma_start3A_48] : memref<4x512x768xf32, #tpu.memory_space<vmem>> -> memref<1x512x768xf32, #tpu.memory_space<vmem>>
    %dma_start3A_50 = tpu.memref_squeeze %dma_start3A_49 : memref<1x512x768xf32, #tpu.memory_space<vmem>> -> memref<512x768xf32, #tpu.memory_space<vmem>>
    %dma_start3A_51 = arith.constant 0 : i32
    %dma_start3A_52 = arith.constant 0 : i32
    %dma_start3A_53 = tpu.memref_slice %arg4[%dma_start3A_41, %dma_start3A_51, %dma_start3A_52] : memref<64x512x768xf32, #tpu.memory_space<any>> -> memref<1x512x768xf32, #tpu.memory_space<any>>
    %dma_start3A_54 = tpu.memref_squeeze %dma_start3A_53 : memref<1x512x768xf32, #tpu.memory_space<any>> -> memref<512x768xf32, #tpu.memory_space<any>>
    tpu.enqueue_dma source(%dma_start3A_54 : memref<512x768xf32, #tpu.memory_space<any>>) target(%dma_start3A_50 : memref<512x768xf32, #tpu.memory_space<vmem>>) target_semaphore(%dma_start3A_46 : memref<!tpu.dma_semaphore, #tpu.memory_space<semaphore_mem>>)
    %dma_start3A_55 = arith.constant 2 : i32
    %dma_start3A_56 = arith.constant 2 : i32
    %dma_start3A_57 = arith.constant 2 : i32
    %dma_start3A_58 = arith.constant 0 : i32
    %dma_start3A_59 = tpu.memref_slice %arg9[%dma_start3A_57, %dma_start3A_58] : memref<4x2x!tpu.dma_semaphore, #tpu.memory_space<semaphore_mem>> -> memref<1x1x!tpu.dma_semaphore, #tpu.memory_space<semaphore_mem>>
    %dma_start3A_60 = tpu.memref_squeeze %dma_start3A_59 : memref<1x1x!tpu.dma_semaphore, #tpu.memory_space<semaphore_mem>> -> memref<!tpu.dma_semaphore, #tpu.memory_space<semaphore_mem>>
    %dma_start3A_61 = arith.constant 0 : i32
    %dma_start3A_62 = arith.constant 0 : i32
    %dma_start3A_63 = tpu.memref_slice %arg6[%dma_start3A_56, %dma_start3A_61, %dma_start3A_62] : memref<4x768x1024xf32, #tpu.memory_space<vmem>> -> memref<1x768x1024xf32, #tpu.memory_space<vmem>>
    %dma_start3A_64 = tpu.memref_squeeze %dma_start3A_63 : memref<1x768x1024xf32, #tpu.memory_space<vmem>> -> memref<768x1024xf32, #tpu.memory_space<vmem>>
    %dma_start3A_65 = arith.constant 0 : i32
    %dma_start3A_66 = arith.constant 0 : i32
    %dma_start3A_67 = tpu.memref_slice %arg3[%dma_start3A_55, %dma_start3A_65, %dma_start3A_66] : memref<64x768x1024xf32, #tpu.memory_space<any>> -> memref<1x768x1024xf32, #tpu.memory_space<any>>
    %dma_start3A_68 = tpu.memref_squeeze %dma_start3A_67 : memref<1x768x1024xf32, #tpu.memory_space<any>> -> memref<768x1024xf32, #tpu.memory_space<any>>
    tpu.enqueue_dma source(%dma_start3A_68 : memref<768x1024xf32, #tpu.memory_space<any>>) target(%dma_start3A_64 : memref<768x1024xf32, #tpu.memory_space<vmem>>) target_semaphore(%dma_start3A_60 : memref<!tpu.dma_semaphore, #tpu.memory_space<semaphore_mem>>)
    %dma_start3A_69 = arith.constant 2 : i32
    %dma_start3A_70 = arith.constant 2 : i32
    %dma_start3A_71 = arith.constant 2 : i32
    %dma_start3A_72 = arith.constant 1 : i32
    %dma_start3A_73 = tpu.memref_slice %arg9[%dma_start3A_71, %dma_start3A_72] : memref<4x2x!tpu.dma_semaphore, #tpu.memory_space<semaphore_mem>> -> memref<1x1x!tpu.dma_semaphore, #tpu.memory_space<semaphore_mem>>
    %dma_start3A_74 = tpu.memref_squeeze %dma_start3A_73 : memref<1x1x!tpu.dma_semaphore, #tpu.memory_space<semaphore_mem>> -> memref<!tpu.dma_semaphore, #tpu.memory_space<semaphore_mem>>
    %dma_start3A_75 = arith.constant 0 : i32
    %dma_start3A_76 = arith.constant 0 : i32
    %dma_start3A_77 = tpu.memref_slice %arg7[%dma_start3A_70, %dma_start3A_75, %dma_start3A_76] : memref<4x512x768xf32, #tpu.memory_space<vmem>> -> memref<1x512x768xf32, #tpu.memory_space<vmem>>
    %dma_start3A_78 = tpu.memref_squeeze %dma_start3A_77 : memref<1x512x768xf32, #tpu.memory_space<vmem>> -> memref<512x768xf32, #tpu.memory_space<vmem>>
    %dma_start3A_79 = arith.constant 0 : i32
    %dma_start3A_80 = arith.constant 0 : i32
    %dma_start3A_81 = tpu.memref_slice %arg4[%dma_start3A_69, %dma_start3A_79, %dma_start3A_80] : memref<64x512x768xf32, #tpu.memory_space<any>> -> memref<1x512x768xf32, #tpu.memory_space<any>>
    %dma_start3A_82 = tpu.memref_squeeze %dma_start3A_81 : memref<1x512x768xf32, #tpu.memory_space<any>> -> memref<512x768xf32, #tpu.memory_space<any>>
    tpu.enqueue_dma source(%dma_start3A_82 : memref<512x768xf32, #tpu.memory_space<any>>) target(%dma_start3A_78 : memref<512x768xf32, #tpu.memory_space<vmem>>) target_semaphore(%dma_start3A_74 : memref<!tpu.dma_semaphore, #tpu.memory_space<semaphore_mem>>)
    %broadcast_in_dim3A = arith.constant 0.000000e+00 : f32
    %broadcast_in_dim3A_83 = vector.broadcast %broadcast_in_dim3A : f32 to vector<256x768xf32>
    %swap3A = arith.constant 0 : index
    %swap3A_84 = arith.constant 0 : index
    %swap3A_85 = vector.load %arg5[%swap3A, %swap3A_84] : memref<256x768xf32, #tpu.memory_space<vmem>>, vector<256x768xf32>
    tpu.vector_store %arg5[%swap3A, %swap3A_84], %broadcast_in_dim3A_83 {strides = array<i32>} : memref<256x768xf32, #tpu.memory_space<vmem>>, vector<256x768xf32>,
    %get3A = arith.constant 0 : index
    %get3A_86 = arith.constant 0 : index
    %get3A_87 = vector.load %arg1[%get3A, %get3A_86] : memref<256x768xf32, #tpu.memory_space<vmem>>, vector<256x768xf32>
    %convert_element_type3A = arith.truncf %get3A_87 : vector<256x768xf32> to vector<256x768xbf16>
    %swap3A_88 = arith.constant 0 : index
    %swap3A_89 = arith.constant 0 : index
    %swap3A_90 = vector.load %arg8[%swap3A_88, %swap3A_89] : memref<256x768xbf16, #tpu.memory_space<vmem>>, vector<256x768xbf16>
    tpu.vector_store %arg8[%swap3A_88, %swap3A_89], %convert_element_type3A {strides = array<i32>} : memref<256x768xbf16, #tpu.memory_space<vmem>>, vector<256x768xbf16>,
    %scan3A = arith.constant 0 : i32
    %scan3A_91 = arith.constant 64 : i32
    %scan3A_92 = arith.addi %scan3A, %scan3A_91 : i32
    %scan3A_93 = arith.constant 1 : i32
    scf.for %scan3A_95 = %scan3A to %scan3A_92 step %scan3A_93  : i32 {
      %rem3A = arith.constant 4 : i32
      %rem3A_96 = arith.remsi %scan3A_95, %rem3A : i32
      %add3A = arith.constant 3 : i32
      %add3A_97 = arith.addi %scan3A_95, %add3A : i32
      %lt3A = arith.constant 64 : i32
      %lt3A_98 = arith.cmpi slt, %add3A_97, %lt3A : i32
      %convert_element_type3A_99 = arith.extui %lt3A_98 : i1 to i32
      %cond3A = arith.constant 0 : i32
      %cond3A_100 = arith.cmpi ne, %convert_element_type3A_99, %cond3A : i32
      scf.if %cond3A_100 {
        %add3A_174 = arith.constant 3 : i32
        %add3A_175 = arith.addi %scan3A_95, %add3A_174 : i32
        %add3A_176 = arith.constant 3 : i32
        %add3A_177 = arith.addi %scan3A_95, %add3A_176 : i32
        %rem3A_178 = arith.constant 4 : i32
        %rem3A_179 = arith.remsi %add3A_177, %rem3A_178 : i32
        %dma_start3A_180 = arith.constant 0 : i32
        %dma_start3A_181 = tpu.memref_slice %arg9[%rem3A_179, %dma_start3A_180] : memref<4x2x!tpu.dma_semaphore, #tpu.memory_space<semaphore_mem>> -> memref<1x1x!tpu.dma_semaphore, #tpu.memory_space<semaphore_mem>>
        %dma_start3A_182 = tpu.memref_squeeze %dma_start3A_181 : memref<1x1x!tpu.dma_semaphore, #tpu.memory_space<semaphore_mem>> -> memref<!tpu.dma_semaphore, #tpu.memory_space<semaphore_mem>>
        %dma_start3A_183 = arith.constant 0 : i32
        %dma_start3A_184 = arith.constant 0 : i32
        %dma_start3A_185 = tpu.memref_slice %arg6[%rem3A_179, %dma_start3A_183, %dma_start3A_184] : memref<4x768x1024xf32, #tpu.memory_space<vmem>> -> memref<1x768x1024xf32, #tpu.memory_space<vmem>>
        %dma_start3A_186 = tpu.memref_squeeze %dma_start3A_185 : memref<1x768x1024xf32, #tpu.memory_space<vmem>> -> memref<768x1024xf32, #tpu.memory_space<vmem>>
        %dma_start3A_187 = arith.constant 0 : i32
        %dma_start3A_188 = arith.constant 0 : i32
        %dma_start3A_189 = tpu.memref_slice %arg3[%add3A_175, %dma_start3A_187, %dma_start3A_188] : memref<64x768x1024xf32, #tpu.memory_space<any>> -> memref<1x768x1024xf32, #tpu.memory_space<any>>
        %dma_start3A_190 = tpu.memref_squeeze %dma_start3A_189 : memref<1x768x1024xf32, #tpu.memory_space<any>> -> memref<768x1024xf32, #tpu.memory_space<any>>
        tpu.enqueue_dma source(%dma_start3A_190 : memref<768x1024xf32, #tpu.memory_space<any>>) target(%dma_start3A_186 : memref<768x1024xf32, #tpu.memory_space<vmem>>) target_semaphore(%dma_start3A_182 : memref<!tpu.dma_semaphore, #tpu.memory_space<semaphore_mem>>)
        %dma_start3A_191 = arith.constant 1 : i32
        %dma_start3A_192 = tpu.memref_slice %arg9[%rem3A_179, %dma_start3A_191] : memref<4x2x!tpu.dma_semaphore, #tpu.memory_space<semaphore_mem>> -> memref<1x1x!tpu.dma_semaphore, #tpu.memory_space<semaphore_mem>>
        %dma_start3A_193 = tpu.memref_squeeze %dma_start3A_192 : memref<1x1x!tpu.dma_semaphore, #tpu.memory_space<semaphore_mem>> -> memref<!tpu.dma_semaphore, #tpu.memory_space<semaphore_mem>>
        %dma_start3A_194 = arith.constant 0 : i32
        %dma_start3A_195 = arith.constant 0 : i32
        %dma_start3A_196 = tpu.memref_slice %arg7[%rem3A_179, %dma_start3A_194, %dma_start3A_195] : memref<4x512x768xf32, #tpu.memory_space<vmem>> -> memref<1x512x768xf32, #tpu.memory_space<vmem>>
        %dma_start3A_197 = tpu.memref_squeeze %dma_start3A_196 : memref<1x512x768xf32, #tpu.memory_space<vmem>> -> memref<512x768xf32, #tpu.memory_space<vmem>>
        %dma_start3A_198 = arith.constant 0 : i32
        %dma_start3A_199 = arith.constant 0 : i32
        %dma_start3A_200 = tpu.memref_slice %arg4[%add3A_175, %dma_start3A_198, %dma_start3A_199] : memref<64x512x768xf32, #tpu.memory_space<any>> -> memref<1x512x768xf32, #tpu.memory_space<any>>
        %dma_start3A_201 = tpu.memref_squeeze %dma_start3A_200 : memref<1x512x768xf32, #tpu.memory_space<any>> -> memref<512x768xf32, #tpu.memory_space<any>>
        tpu.enqueue_dma source(%dma_start3A_201 : memref<512x768xf32, #tpu.memory_space<any>>) target(%dma_start3A_197 : memref<512x768xf32, #tpu.memory_space<vmem>>) target_semaphore(%dma_start3A_193 : memref<!tpu.dma_semaphore, #tpu.memory_space<semaphore_mem>>)
      } else {
      }
      %dma_wait3A = arith.constant 0 : i32
      %dma_wait3A_101 = tpu.memref_slice %arg9[%rem3A_96, %dma_wait3A] : memref<4x2x!tpu.dma_semaphore, #tpu.memory_space<semaphore_mem>> -> memref<1x1x!tpu.dma_semaphore, #tpu.memory_space<semaphore_mem>>
      %dma_wait3A_102 = tpu.memref_squeeze %dma_wait3A_101 : memref<1x1x!tpu.dma_semaphore, #tpu.memory_space<semaphore_mem>> -> memref<!tpu.dma_semaphore, #tpu.memory_space<semaphore_mem>>
      %dma_wait3A_103 = arith.constant 0 : i32
      %dma_wait3A_104 = arith.constant 0 : i32
      %dma_wait3A_105 = tpu.memref_slice %arg6[%rem3A_96, %dma_wait3A_103, %dma_wait3A_104] : memref<4x768x1024xf32, #tpu.memory_space<vmem>> -> memref<1x768x1024xf32, #tpu.memory_space<vmem>>
      %dma_wait3A_106 = tpu.memref_squeeze %dma_wait3A_105 : memref<1x768x1024xf32, #tpu.memory_space<vmem>> -> memref<768x1024xf32, #tpu.memory_space<vmem>>
      %dma_wait3A_107 = arith.constant 0 : i32
      %dma_wait3A_108 = arith.constant 0 : i32
      %dma_wait3A_109 = tpu.memref_slice %arg3[%scan3A_95, %dma_wait3A_107, %dma_wait3A_108] : memref<64x768x1024xf32, #tpu.memory_space<any>> -> memref<1x768x1024xf32, #tpu.memory_space<any>>
      %dma_wait3A_110 = tpu.memref_squeeze %dma_wait3A_109 : memref<1x768x1024xf32, #tpu.memory_space<any>> -> memref<768x1024xf32, #tpu.memory_space<any>>
      tpu.wait_dma2 semaphore(%dma_wait3A_102 : memref<!tpu.dma_semaphore, #tpu.memory_space<semaphore_mem>>) src(%dma_wait3A_110 : memref<768x1024xf32, #tpu.memory_space<any>>) dst(%dma_wait3A_106 : memref<768x1024xf32, #tpu.memory_space<vmem>>)
      %dma_wait3A_111 = arith.constant 1 : i32
      %dma_wait3A_112 = tpu.memref_slice %arg9[%rem3A_96, %dma_wait3A_111] : memref<4x2x!tpu.dma_semaphore, #tpu.memory_space<semaphore_mem>> -> memref<1x1x!tpu.dma_semaphore, #tpu.memory_space<semaphore_mem>>
      %dma_wait3A_113 = tpu.memref_squeeze %dma_wait3A_112 : memref<1x1x!tpu.dma_semaphore, #tpu.memory_space<semaphore_mem>> -> memref<!tpu.dma_semaphore, #tpu.memory_space<semaphore_mem>>
      %dma_wait3A_114 = arith.constant 0 : i32
      %dma_wait3A_115 = arith.constant 0 : i32
      %dma_wait3A_116 = tpu.memref_slice %arg7[%rem3A_96, %dma_wait3A_114, %dma_wait3A_115] : memref<4x512x768xf32, #tpu.memory_space<vmem>> -> memref<1x512x768xf32, #tpu.memory_space<vmem>>
      %dma_wait3A_117 = tpu.memref_squeeze %dma_wait3A_116 : memref<1x512x768xf32, #tpu.memory_space<vmem>> -> memref<512x768xf32, #tpu.memory_space<vmem>>
      %dma_wait3A_118 = arith.constant 0 : i32
      %dma_wait3A_119 = arith.constant 0 : i32
      %dma_wait3A_120 = tpu.memref_slice %arg4[%scan3A_95, %dma_wait3A_118, %dma_wait3A_119] : memref<64x512x768xf32, #tpu.memory_space<any>> -> memref<1x512x768xf32, #tpu.memory_space<any>>
      %dma_wait3A_121 = tpu.memref_squeeze %dma_wait3A_120 : memref<1x512x768xf32, #tpu.memory_space<any>> -> memref<512x768xf32, #tpu.memory_space<any>>
      tpu.wait_dma2 semaphore(%dma_wait3A_113 : memref<!tpu.dma_semaphore, #tpu.memory_space<semaphore_mem>>) src(%dma_wait3A_121 : memref<512x768xf32, #tpu.memory_space<any>>) dst(%dma_wait3A_117 : memref<512x768xf32, #tpu.memory_space<vmem>>)
      %iota3A = tpu.iota {dimensions = array<i32: 1>} : vector<1x64xi32>
      %eq3A = vector.broadcast %scan3A_95 : i32 to vector<1x64xi32>
      %eq3A_122 = arith.cmpi eq, %iota3A, %eq3A : vector<1x64xi32>
      %get3A_123 = arith.constant 0 : index
      %get3A_124 = arith.constant 0 : index
      %get3A_125 = vector.load %arg0[%get3A_123, %get3A_124] : memref<256x64xf32, #tpu.memory_space<vmem>>, vector<256x64xf32>
      %jit3A = arith.constant 0.000000e+00 : f32
      %broadcast_in_dim3A_126 = vector.shape_cast %eq3A_122 : vector<1x64xi1> to vector<1x64xi1>
      %broadcast_in_dim3A_127 = vector.broadcast %broadcast_in_dim3A_126 : vector<1x64xi1> to vector<256x64xi1>
      %broadcast_in_dim3A_128 = vector.broadcast %jit3A : f32 to vector<256x64xf32>
      %select_n3A = arith.select %broadcast_in_dim3A_127, %get3A_125, %broadcast_in_dim3A_128 : vector<256x64xi1>, vector<256x64xf32>
      %reduce_sum3A = arith.constant dense<0.000000e+00> : vector<256xf32>
      %reduce_sum3A_129 = vector.multi_reduction <add>, %select_n3A, %reduce_sum3A [1] : vector<256x64xf32> to vector<256xf32>
      %broadcast_in_dim3A_130 = vector.shape_cast %reduce_sum3A_129 : vector<256xf32> to vector<256x1xf32>
      %get3A_131 = arith.index_cast %scan3A_95 : i32 to index
      %get3A_132 = memref.load %arg2[%get3A_131] : memref<64xf32, #tpu.memory_space<smem>>
      %mul3A = vector.broadcast %get3A_132 : f32 to vector<256x1xf32>
      %mul3A_133 = arith.mulf %broadcast_in_dim3A_130, %mul3A : vector<256x1xf32>
      %get3A_134 = arith.index_cast %rem3A_96 : i32 to index
      %get3A_135 = arith.constant 0 : index
      %get3A_136 = arith.constant 0 : index
      %get3A_137 = vector.load %arg6[%get3A_134, %get3A_135, %get3A_136] : memref<4x768x1024xf32, #tpu.memory_space<vmem>>, vector<1x768x1024xf32>
      %get3A_138 = vector.shape_cast %get3A_137 : vector<1x768x1024xf32> to vector<768x1024xf32>
      %convert_element_type3A_139 = arith.truncf %get3A_138 : vector<768x1024xf32> to vector<768x1024xbf16>
      %get3A_140 = arith.constant 0 : index
      %get3A_141 = arith.constant 0 : index
      %get3A_142 = vector.load %arg8[%get3A_140, %get3A_141] : memref<256x768xbf16, #tpu.memory_space<vmem>>, vector<256x768xbf16>
      %dot_general3A = arith.constant dense<0.000000e+00> : vector<256x1024xf32>
      %dot_general3A_143 = tpu.matmul %get3A_142, %convert_element_type3A_139, %dot_general3A {dimension_numbers = #tpu.dot_dimension_numbers<[1], [0], [0], [1], [0, 0, 1, 1], [], []>, transpose_lhs_hint = false} : vector<256x768xbf16>, vector<768x1024xbf16>, vector<256x1024xf32> -> vector<256x1024xf32>
      %slice3A = vector.extract_strided_slice %dot_general3A_143 {offsets = [0, 0], sizes = [256, 512], strides = [1, 1]} : vector<256x1024xf32> to vector<256x512xf32>
      %slice3A_144 = vector.extract_strided_slice %dot_general3A_143 {offsets = [0, 512], sizes = [256, 512], strides = [1, 1]} : vector<256x1024xf32> to vector<256x512xf32>
      %mul3A_145 = arith.constant 5.000000e-01 : f32
      %mul3A_146 = vector.broadcast %mul3A_145 : f32 to vector<256x512xf32>
      %mul3A_147 = arith.mulf %mul3A_146, %slice3A : vector<256x512xf32>
      %mul3A_148 = arith.constant 0.707106769 : f32
      %mul3A_149 = vector.broadcast %mul3A_148 : f32 to vector<256x512xf32>
      %mul3A_150 = arith.mulf %slice3A, %mul3A_149 : vector<256x512xf32>
      %erf3A = math.erf %mul3A_150 : vector<256x512xf32>
      %add3A_151 = arith.constant 1.000000e+00 : f32
      %add3A_152 = vector.broadcast %add3A_151 : f32 to vector<256x512xf32>
      %add3A_153 = arith.addf %add3A_152, %erf3A : vector<256x512xf32>
      %mul3A_154 = arith.mulf %mul3A_147, %add3A_153 : vector<256x512xf32>
      %mul3A_155 = arith.mulf %mul3A_154, %slice3A_144 : vector<256x512xf32>
      %convert_element_type3A_156 = arith.truncf %mul3A_155 : vector<256x512xf32> to vector<256x512xbf16>
      %get3A_157 = arith.index_cast %rem3A_96 : i32 to index
      %get3A_158 = arith.constant 0 : index
      %get3A_159 = arith.constant 0 : index
      %get3A_160 = vector.load %arg7[%get3A_157, %get3A_158, %get3A_159] : memref<4x512x768xf32, #tpu.memory_space<vmem>>, vector<1x512x768xf32>
      %get3A_161 = vector.shape_cast %get3A_160 : vector<1x512x768xf32> to vector<512x768xf32>
      %convert_element_type3A_162 = arith.truncf %get3A_161 : vector<512x768xf32> to vector<512x768xbf16>
      %dot_general3A_163 = arith.constant dense<0.000000e+00> : vector<256x768xf32>
      %dot_general3A_164 = tpu.matmul %convert_element_type3A_156, %convert_element_type3A_162, %dot_general3A_163 {dimension_numbers = #tpu.dot_dimension_numbers<[1], [0], [0], [1], [0, 0, 1, 1], [], []>, transpose_lhs_hint = false} : vector<256x512xbf16>, vector<512x768xbf16>, vector<256x768xf32> -> vector<256x768xf32>
      %get3A_165 = arith.constant 0 : index
      %get3A_166 = arith.constant 0 : index
      %get3A_167 = vector.load %arg5[%get3A_165, %get3A_166] : memref<256x768xf32, #tpu.memory_space<vmem>>, vector<256x768xf32>
      %mul3A_168 = vector.broadcast %mul3A_133 : vector<256x1xf32> to vector<256x768xf32>
      %mul3A_169 = arith.mulf %mul3A_168, %dot_general3A_164 : vector<256x768xf32>
      %add3A_170 = arith.addf %get3A_167, %mul3A_169 : vector<256x768xf32>
      %swap3A_171 = arith.constant 0 : index
      %swap3A_172 = arith.constant 0 : index
      %swap3A_173 = vector.load %arg5[%swap3A_171, %swap3A_172] : memref<256x768xf32, #tpu.memory_space<vmem>>, vector<256x768xf32>
      tpu.vector_store %arg5[%swap3A_171, %swap3A_172], %add3A_170 {strides = array<i32>} : memref<256x768xf32, #tpu.memory_space<vmem>>, vector<256x768xf32>,
    }
    %scan3A_94 = arith.constant 64 : i32
    return
  }
}

</mosaic_0001>

<sc_bundles>
// kernel: kernel.4.cloned.1.call-start
scs
__scs_entry_jumppad:
0x0: {  	(pc) =	sbr.rel $0x88, $3  }
0x1: {  	(tag) =	ssettag $0x0;
	lr =	simm.s32 $0x1  }
0x2: {  	[smem:$0x3F9B] =	sst lr;
	_ =	strace $0xD0000000  }
0x3: {  	_ = 	snop  }
0x4: {  	_ = 	snop  }
0x5: {  	_ = 	snop  }
0x6: {  	_ = 	snop  }
0x7: {  	_ = 	snop  }
__scs_overlays_trampoline_lowered:
0x8: {  	[smem:$0x3FAA] =	sst s0  }
0x9: {  	[smem:$0x3FAB] =	sst s1  }
0xa: {  	[smem:$0x3FAC] =	sst s2  }
0xb: {  	[smem:$0x3FAD] =	sst s3  }
0xc: {  	[smem:$0x3FAE] =	sst s4  }
0xd: {  	[smem:$0x3FAF] =	sst s5  }
0xe: {  	[smem:$0x3FB0] =	sst s6  }
0xf: {  	[smem:$0x3FB1] =	sst s7  }
0x10: {  	[smem:$0x3FB2] =	sst s8  }
0x11: {  	[smem:$0x3FB3] =	sst s9;
	s0 =	simm.s32 @!p0 $0x0  }
0x12: {  	s1 =	sld [smem:$0x3F99];
	s0 =	simm.s32 @p0 $0x1  }
0x13: {  	[smem:$0x3FB4] =	sst s0;
	s0 =	simm.s32 @!p1 $0x0  }
0x14: {  	s2 =	sld [smem:$0x3F98];
	s0 =	simm.s32 @p1 $0x1  }
0x15: {  	[smem:$0x3FB5] =	sst s0;
	s0 =	simm.s32 @!p2 $0x0  }
0x16: {  	s3 =	sld [smem:$0x3FDB];
	s0 =	simm.s32 @p2 $0x1  }
0x17: {  	s4 =	simm.s32 $0x1BF5;
	[smem:$0x3FB7] =	sst s0  }
0x18: {  	s0 =	sld [smem:$0x3F9A];
	_ =	swait.ge [sflag:s4], $0x0  }
0x19: {  	s7 =	sld [smem:$0x3F9B]  }
0x1a: {  	s8 =	sadd.s32 $0xFFFFE003, lr  }
0x1b: {  	s9 =	sadd.s32 $0xFFFFFEF7, lr;
	s5 =	simm.s32 $0xFFFFFFFF;
	p2 =	slt.u32 s8, $0xFFFFF086  }
0x1c: {  	p1 =	slt.u32 s9, $0xF7A;
	s5 =	simm.s32 @!p2 $0x0  }
0x1d: {  	s5 =	simm.s32 @p1 $0x1;
	p0 =	seq.s32 s7, s2  }
0x1e: {  	s7 =	smul.u32 @!p0 $0xF7A, s2;
	p2 =	seq.s32 @!p0 s5, $0x0  }
0x1f: {  	s9 =	smul.u32 $0xF7A, s1;
	s8 =	simm.s32 @!p0 $0x1BF5;
	p2 =	por !p2, p0  }
0x20: {  	[sflag:s8] =	ssyncset.s32 @!p0 $0xFFFFF086;
	s6 =	sadd.s32 @!p0 s3, s7;
	s7 =	simm.s32 @!p0 $0x108  }
0x21: {  	s3 =	sadd.s32 s3, s9;
	s6 =	sadd.s32 @!p0 $0x88, s6;
	s7 =	simm.s32 @p2 $0x1082  }
0x22: {  	[simem:s7], [sflag:s8] =	dma.local @!p0 [hbm:s6], $0xF7A  }
0x23: {  	s9 =	sor.u32 $0xD0000000, s2;
	s6 =	simm.s32 $0x108;
	_ =	swait.ge @!p0 [sflag:s8], $0x0  }
0x24: {  	s3 =	sadd.s32 $0x88, s3;
	s6 =	simm.s32 @!p1 $0x1082;
	[sflag:s4] =	ssyncset.s32 $0xFFFFF086  }
0x25: {  	[simem:s6], [sflag:s4] =	dma.local [hbm:s3], $0xF7A  }
0x26: {  	[smem:$0x3F9B] =	sst s1;
	(tag) =	ssettag s2;
	_ =	strace s9  }
0x27: {  	s1 =	sld [smem:$0x3FAB]  }
0x28: {  	s2 =	sld [smem:$0x3FAC]  }
0x29: {  	s4 =	sld [smem:$0x3FAE]  }
0x2a: {  	p0 =	seq.s32 s5, $0x0;
	s5 =	sld [smem:$0x3FAF]  }
0x2b: {  	s6 =	sld [smem:$0x3FB0]  }
0x2c: {  	s7 =	sld [smem:$0x3FB1]  }
0x2d: {  	s3 =	simm.s32 $0x108;
	s8 =	sld [smem:$0x3FB2]  }
0x2e: {  	s3 =	simm.s32 @!p0 $0x1082;
	s9 =	sld [smem:$0x3FB3]  }
0x2f: {  	lr =	sadd.s32 s0, s3;
	s0 =	sld [smem:$0x3FAA]  }
0x30: {  	s3 =	sld [smem:$0x3FAD]  }
0x31: {  	[smem:$0x3FB6] =	sst s10  }
0x32: {  	s10 =	sld [smem:$0x3FB4];
	_ =	sdelay $0x3  }
0x33: {  	p0 =	seq.s32 s10, $0x1;
	s10 =	sld [smem:$0x3FB6];
	_ =	sdelay $0x3  }
0x34: {  	[smem:$0x3FB6] =	sst s10  }
0x35: {  	s10 =	sld [smem:$0x3FB5];
	_ =	sdelay $0x3  }
0x36: {  	p1 =	seq.s32 s10, $0x1;
	s10 =	sld [smem:$0x3FB6];
	_ =	sdelay $0x3  }
0x37: {  	[smem:$0x3FB6] =	sst s10  }
0x38: {  	s10 =	sld [smem:$0x3FB7]  }
0x39: {  	_ = 	snop;
	(pc) =	sbr.ind lr, $3  }
0x3a: {  	_ = 	snop  }
0x3b: {  	_ = 	snop  }
0x3c: {  	p2 =	seq.s32 s10, $0x1;
	s10 =	sld [smem:$0x3FB6]  }
0x3d: {  	_ =	shalt  }
0x3e: {  	_ =	shalt  }
0x3f: {  	_ =	shalt  }
0x40: {  	_ =	shalt  }
0x41: {  	_ =	shalt  }
0x42: {  	_ =	shalt  }
0x43: {  	_ =	shalt  }
0x44: {  	_ =	shalt  }
0x45: {  	_ =	shalt  }
0x46: {  	_ =	shalt  }
0x47: {  	_ =	shalt  }
0x48: {  	_ =	shalt  }
0x49: {  	_ =	shalt  }
0x4a: {  	_ =	shalt  }
0x4b: {  	_ =	shalt  }
0x4c: {  	_ =	shalt  }
0x4d: {  	_ =	shalt  }
0x4e: {  	_ =	shalt  }
0x4f: {  	_ =	shalt  }
0x50: {  	_ =	shalt  }
0x51: {  	_ =	shalt  }
0x52: {  	_ =	shalt  }
0x53: {  	_ =	shalt  }
0x54: {  	_ =	shalt  }
0x55: {  	_ =	shalt  }
0x56: {  	_ =	shalt  }
0x57: {  	_ =	shalt  }
0x58: {  	_ =	shalt  }
0x59: {  	_ =	shalt  }
0x5a: {  	_ =	shalt  }
0x5b: {  	_ =	shalt  }
0x5c: {  	_ =	shalt  }
0x5d: {  	_ =	shalt  }
0x5e: {  	_ =	shalt  }
0x5f: {  	_ =	shalt  }
0x60: {  	_ =	shalt  }
0x61: {  	_ =	shalt  }
0x62: {  	_ =	shalt  }
0x63: {  	_ =	shalt  }
0x64: {  	_ =	shalt  }
0x65: {  	_ =	shalt  }
0x66: {  	_ =	shalt  }
0x67: {  	_ =	shalt  }
0x68: {  	_ =	shalt  }
0x69: {  	_ =	shalt  }
0x6a: {  	_ =	shalt  }
0x6b: {  	_ =	shalt  }
0x6c: {  	_ =	shalt  }
0x6d: {  	_ =	shalt  }
0x6e: {  	_ =	shalt  }
0x6f: {  	_ =	shalt  }
0x70: {  	_ =	shalt  }
0x71: {  	_ =	shalt  }
0x72: {  	_ =	shalt  }
0x73: {  	_ =	shalt  }
0x74: {  	_ =	shalt  }
0x75: {  	_ =	shalt  }
0x76: {  	_ =	shalt  }
0x77: {  	_ =	shalt  }
0x78: {  	_ =	shalt  }
0x79: {  	_ =	shalt  }
0x7a: {  	_ =	shalt  }
0x7b: {  	_ =	shalt  }
0x7c: {  	_ =	shalt  }
0x7d: {  	_ =	shalt  }
0x7e: {  	_ =	shalt  }
0x7f: {  	_ =	shalt  }
0x80: {  	_ =	shalt  }
0x81: {  	_ =	shalt  }
0x82: {  	_ =	shalt  }
0x83: {  	_ =	shalt  }
0x84: {  	_ =	shalt  }
0x85: {  	_ =	shalt  }
0x86: {  	_ =	shalt  }
0x87: {  	_ =	shalt  }
.Lfunc_end0:
.L_simem_size_0:
called_computation_lowered:
.L_overlay_start_0:
0x88: {  	s2 =	sld [smem:$0x3FD9]  }
0x89: {  	s3 =	sld [smem:$0x3FFE];
	_ =	sdelay $0x1  }
0x8a: {  	s1 =	srdreg.scid  }
0x8b: {  	s0 =	sand.u32 $0x1, s1  }
0x8c: {  	s17 =	sshll.u32 s0, $0xA;
	s2 =	sadd.s32 s3, s2  }
0x8d: {  	s2 =	sadd.s32 s2, s17  }
0x8e: {  	[smem:$0x3FC2] =	sst s2  }
0x8f: {  	_ = 	snop  }
0x90: {  	s2 =	sld [smem:$0x3FD0];
	(tm) =	ssettm $0x1  }
0x91: {  	s18 =	sld [smem:$0x3FFB];
	_ =	sdelay $0x3  }
0x92: {  	_ =	strace s18  }
0x93: {  	s3 =	sld [smem:$0x3FFC];
	_ =	sdelay $0x3  }
0x94: {  	_ =	strace s3  }
0x95: {  	s3 =	sld [smem:$0x3FFD];
	_ =	sdelay $0x3  }
0x96: {  	_ =	strace s3  }
0x97: {  	_ =	strace $0x8FFFFFFF  }
0x98: {  	s19 =	sld [smem:$0x3FDB];
	_ =	sdelay $0x1  }
0x99: {  	s4 =	simm.s32 $_scs_section_size  }
0x9a: {  	s5 =	simm.s32 $_size__tile_overlayer_lowered;
	s6 =	simm.s32 $_tile_overlayer_lowered  }
0x9b: {  	s22 =	simm.s32 $0x1BFF;
	s21 =	sshll.u32 s6, $0x1;
	s3 =	sadd.s32 s4, s19  }
0x9c: {  	s7 =	simm.s32 $0x0;
	s20 =	sshll.u32 s5, $0x1;
	s5 =	sadd.s32 s21, s3  }
0x9d: {  	[timem:s7], [sflag:s22] =	dma.local [hbm:s5], s20  }
0x9e: {  	_ =	swait.ge [sflag:s22], s20  }
0x9f: {  	s4 =	ssub.s32 $0x0, s20;
	[sflag:s22] =	ssyncset.done $0x0  }
0xa0: {  	[sflag:s22] =	ssyncadd.s32 s4;
	_ =	sdelay $0x1  }
0xa1: {  	s23 =	simm.s32 $0x1B8B  }
0xa2: {  	_ =	swait.ge [sflag:s23], $0x1  }
0xa3: {  	[sflag:s23] =	ssyncset.done $0x0  }
0xa4: {  	s25 =	simm.s32 $0x1B8E;
	s24 =	sld [smem:$0x3FFE];
	[sflag:s23] =	ssyncadd.s32 $0xFFFFFFFF  }
0xa5: {  	s26 =	simm.s32 $execute0_lowered;
	[smem:$0x3FD2] =	sst s25  }
0xa6: {  	s5 =	sshll.u32 s26, $0x1;
	_ =	strace $0x80000046;
	[dreg:$0x1] =	wrdreg $0xFFFFFFFF  }
0xa7: {  	s28 =	simm.s32 $_size_execute0_lowered;
	s3 =	sadd.s32 s3, s5;
	[dreg:$0x0] =	wrdreg $0x0  }
0xa8: {  	s5 =	sshll.u32 s28, $0x1;
	[dreg:$0x2] =	wrdreg s3  }
0xa9: {  	[dreg:$0x3] =	wrdreg s5  }
0xaa: {  	[dreg:$0x4] =	wrdreg $0xC0  }
0xab: {  	_ =	task [dreg:s7], $0x5FFFF  }
0xac: {  	[dreg:$0x1] =	wrdreg $0xFFFFFFFF  }
0xad: {  	[dreg:$0x0] =	wrdreg $0x60  }
0xae: {  	[dreg:$0x2] =	wrdreg s24  }
0xaf: {  	[dreg:$0x3] =	wrdreg s2  }
0xb0: {  	[dreg:$0x4] =	wrdreg $0x9  }
0xb1: {  	_ =	task.clear_ibuf [dreg:s7], $0x5FFFF;
	_ =	strace $0x90000046  }
0xb2: {  	s29 =	simm.s32 $0x9;
	_ =	strace $0x80000048  }
0xb3: {  	_ =	swait.ge [sflag:s29], $0x1  }
0xb4: {  	[sflag:s29] =	ssyncadd.s32 $0xFFFFFFFF  }
0xb5: {  	_ =	strace $0x90000048  }
0xb6: {  	_ =	sfence  }
0xb7: {  	s30 =	sld [smem:$0x0];
	_ =	sdelay $0x2  }
0xb8: {  	s31 =	sshll.u32 s1, $0xD;
	s1 =	sshrl.u32 s1, $0x2  }
0xb9: {  	s3 =	sand.u32 $0x4000, s31;
	s1 =	sadd.s32 s1, s30  }
0xba: {  	s0 =	sor.u32 s3, s0;
	s1 =	sshll.u32 s1, $0x11  }
0xbb: {  	s0 =	sor.u32 s1, s0  }
0xbc: {  	s0 =	sadd.s32 $0x8F2B, s0  }
0xbd: {  	[sflag:s0] =	ssyncadd.remote.s32 $0x1  }
0xbe: {  	_ =	sfence.sel $0xFFFF  }
0xbf: {  	[dreg:$0x0] =	wrdreg $0xFFFFFFFF;
	(pc) =	sbr.abs _section_cstart, $3  }
0xc0: {  	[dreg:$0x1] =	wrdreg $0xFFFFFFFF  }
0xc1: {  	_ =	task.clear_ibuf [dreg:s7], $0x2FFFF;
	_ =	strace $0x9FFFFFFF  }
0xc2: {  	(tm) =	ssettm $0x7FFFFFFF  }
0xc3: {  	_ =	shalt  }
tec
execute0_lowered:
.L_overlay_start_1:
0x0: {  	(tag) =	ssettag $0x1  }
0x1: {  	s1 =	stileid.u32  }
0x2: {  	p0 =	sgt.u32 s1, $0x7  }
.Ltmp0:
0x3: {  	_ = 	snop;
	(pc) =	sbr.rel @p0 .LBB2_3-.Ltmp0, $4  }
0x4: {  	s3 =	rddreg [dreg:$0x0]  }
0x5: {  	s6 =	rddreg [dreg:$0x1];
	s2 =	simm.s32 $0x0  }
0x6: {  	[smem:$0x7FF] =	sst s2  }
0x7: {  	s0 =	rddreg [dreg:$0x2];
	_ =	strace $0x80000047  }
0x8: {  	s4 =	srdreg.scid  }
0x9: {  	s5 =	sshll.u32 s1, $0x1;
	s8 =	sshll.u32 s1, $0x3;
	s4 =	sand.u32 $0x1, s4  }
0xa: {  	s9 =	sadd.s32 $0xC00, s3;
	s30 =	sadd.s32 $0xA00, s3;
	s7 =	sor.u32 s4, s5  }
0xb: {  	s8 =	sand.u32 $0x20, s8;
	s11 =	ssub.s32 $0x2, s4;
	s5 =	sshll.u32 s7, $0x1  }
0xc: {  	s12 =	sshrl.u32 s11, $0x1;
	s7 =	sshll.u32 s7, $0x8;
	s5 =	sand.u32 $0xE, s5  }
0xd: {  	s31 =	ssub.s32 s11, s12;
	s6 =	sadd.s32 s6, s7;
	s8 =	sor.u32 s8, s5  }
0xe: {  	s11 =	simm.s32 $0x100;
	s10 =	sor.u32 $0x10, s8;
	s3 =	sadd.s32 s30, s8  }
0xf: {  	v1 =	vlaneseq.u32;
	s7 =	sadd.s32 s9, s8;
	s8 =	smax.u32 s31, $0x1;
	s4 =	sadd.s32 s30, s10  }
0x10: {  	v0 =	vimm.f32 $0.0e+00;
	v1 =	vmul.u32 $0x80, v1;
	s5 =	sadd.s32 s9, s10;
	s9 =	simm.s32 $0x1;
	s10 =	simm.s32 $0x80  }
.LBB2_2:
0x11: {  	[tilespmem:$0x100] =	vst v0  }
0x12: {  	[tilespmem:$0x110] =	vst v0  }
0x13: {  	[tilespmem:$0x120] =	vst v0  }
0x14: {  	[tilespmem:$0x130] =	vst v0  }
0x15: {  	[tilespmem:$0x180] =	vst v0  }
0x16: {  	[tilespmem:$0x190] =	vst v0  }
0x17: {  	[tilespmem:$0x1A0] =	vst v0  }
0x18: {  	[tilespmem:$0x1B0] =	vst v0  }
0x19: {  	[tilespmem:$0x200] =	vst v0  }
0x1a: {  	[tilespmem:$0x210] =	vst v0  }
0x1b: {  	[tilespmem:$0x220] =	vst v0  }
0x1c: {  	[tilespmem:$0x230] =	vst v0  }
0x1d: {  	[tilespmem:$0x280] =	vst v0  }
0x1e: {  	[tilespmem:$0x290] =	vst v0  }
0x1f: {  	[tilespmem:$0x2A0] =	vst v0  }
0x20: {  	[tilespmem:$0x2B0] =	vst v0  }
0x21: {  	[tilespmem:$0x300] =	vst v0  }
0x22: {  	[tilespmem:$0x310] =	vst v0  }
0x23: {  	[tilespmem:$0x320] =	vst v0  }
0x24: {  	[tilespmem:$0x330] =	vst v0  }
0x25: {  	[tilespmem:$0x380] =	vst v0  }
0x26: {  	[tilespmem:$0x390] =	vst v0  }
0x27: {  	[tilespmem:$0x3A0] =	vst v0  }
0x28: {  	[tilespmem:$0x3B0] =	vst v0  }
0x29: {  	[tilespmem:$0x400] =	vst v0  }
0x2a: {  	[tilespmem:$0x410] =	vst v0  }
0x2b: {  	[tilespmem:$0x420] =	vst v0  }
0x2c: {  	[tilespmem:$0x430] =	vst v0  }
0x2d: {  	[tilespmem:$0x480] =	vst v0  }
0x2e: {  	[tilespmem:$0x490] =	vst v0  }
0x2f: {  	[tilespmem:$0x4A0] =	vst v0  }
0x30: {  	[tilespmem:$0x4B0] =	vst v0  }
0x31: {  	[tilespmem:$0x500] =	vst v0  }
0x32: {  	[tilespmem:$0x510] =	vst v0  }
0x33: {  	[tilespmem:$0x520] =	vst v0  }
0x34: {  	[tilespmem:$0x530] =	vst v0  }
0x35: {  	[tilespmem:$0x580] =	vst v0  }
0x36: {  	[tilespmem:$0x590] =	vst v0  }
0x37: {  	[tilespmem:$0x5A0] =	vst v0  }
0x38: {  	[tilespmem:$0x5B0] =	vst v0  }
0x39: {  	[tilespmem:$0x600] =	vst v0  }
0x3a: {  	[tilespmem:$0x610] =	vst v0  }
0x3b: {  	[tilespmem:$0x620] =	vst v0  }
0x3c: {  	[tilespmem:$0x630] =	vst v0  }
0x3d: {  	[tilespmem:$0x680] =	vst v0  }
0x3e: {  	[tilespmem:$0x690] =	vst v0  }
0x3f: {  	[tilespmem:$0x6A0] =	vst v0  }
0x40: {  	[tilespmem:$0x6B0] =	vst v0  }
0x41: {  	[tilespmem:$0x700] =	vst v0  }
0x42: {  	[tilespmem:$0x710] =	vst v0  }
0x43: {  	[tilespmem:$0x720] =	vst v0  }
0x44: {  	[tilespmem:$0x730] =	vst v0  }
0x45: {  	[tilespmem:$0x780] =	vst v0  }
0x46: {  	[tilespmem:$0x790] =	vst v0  }
0x47: {  	[tilespmem:$0x7A0] =	vst v0  }
0x48: {  	[tilespmem:$0x7B0] =	vst v0  }
0x49: {  	[tilespmem:$0x800] =	vst v0  }
0x4a: {  	[tilespmem:$0x810] =	vst v0  }
0x4b: {  	[tilespmem:$0x820] =	vst v0  }
0x4c: {  	[tilespmem:$0x830] =	vst v0  }
0x4d: {  	[tilespmem:$0x880] =	vst v0  }
0x4e: {  	[tilespmem:$0x890] =	vst v0  }
0x4f: {  	[tilespmem:$0x8A0] =	vst v0  }
0x50: {  	[tilespmem:$0x8B0] =	vst v0  }
0x51: {  	[tilespmem:s2], [sflag:$0x1] =	stream.linear.gather [hbm4b:s7+s2], $0x10, $0x38;
	[tilespmem:$0x900] =	vst v63  }
0x52: {  	_ =	swait.ge [sflag:s9], $0x10  }
0x53: {  	[sflag:s9] =	ssyncset.done $0x0  }
0x54: {  	[sflag:s9] =	ssyncadd.s32 $0xFFFFFFF0  }
0x55: {  	[tilespmem:s10], [sflag:$0x1] =	stream.linear.gather [hbm4b:s3+s2], $0x10, $0x38;
	[tilespmem:$0x900] =	vst v63  }
0x56: {  	_ =	swait.ge [sflag:s9], $0x10  }
0x57: {  	[sflag:s9] =	ssyncset.done $0x0  }
0x58: {  	[sflag:s9] =	ssyncadd.s32 $0xFFFFFFF0  }
0x59: {  	v2 =	vld [tilespmem:$0x0];
	_ =	sdelay $0x4  }
0x5a: {  	v3 =	vld [tilespmem:$0x80];
	v2 =	vadd.s32 v1, v2;
	_ =	sdelay $0x4  }
0x5b: {  	[tilespmem:v2+s11+$0x0] =	vst.idx.add.f32.msk $0xffff, v3  }
0x5c: {  	[tilespmem:s2], [sflag:$0x1] =	stream.linear.gather [hbm4b:s5+s2], $0x10, $0x38;
	[tilespmem:$0x900] =	vst v63  }
0x5d: {  	_ =	swait.ge [sflag:s9], $0x10  }
0x5e: {  	[sflag:s9] =	ssyncset.done $0x0  }
0x5f: {  	[sflag:s9] =	ssyncadd.s32 $0xFFFFFFF0  }
0x60: {  	[tilespmem:s10], [sflag:$0x1] =	stream.linear.gather [hbm4b:s4+s2], $0x10, $0x38;
	[tilespmem:$0x900] =	vst v63  }
0x61: {  	_ =	swait.ge [sflag:s9], $0x10  }
0x62: {  	[sflag:s9] =	ssyncset.done $0x0  }
0x63: {  	[sflag:s9] =	ssyncadd.s32 $0xFFFFFFF0  }
0x64: {  	v2 =	vld [tilespmem:$0x0];
	_ =	sdelay $0x4  }
0x65: {  	v3 =	vld [tilespmem:$0x80];
	v2 =	vadd.s32 v1, v2;
	_ =	sdelay $0x3  }
0x66: {  	p0 =	sne.s32 s8, $0x1  }
.Ltmp1:
0x67: {  	[tilespmem:v2+s11+$0x0] =	vst.idx.add.f32.msk $0xffff, v3;
	(pc) =	sbr.rel @p0 .LBB2_2-.Ltmp1, $4  }
0x68: {  	[hbm4b:s6+s2] =	stream.linear.scatter [tilespmem:s11], [sflag:$0x1], $0x800, $0x38;
	[tilespmem:$0x900] =	vst v63  }
0x69: {  	_ =	swait.ge [sflag:s9], $0x800  }
0x6a: {  	[sflag:s9] =	ssyncset.done $0x0  }
0x6b: {  	s8 =	sadd.s32 $0xFFFFFFFF, s8;
	[sflag:s9] =	ssyncadd.s32 $0xFFFFF800  }
.LBB2_3:
0x6c: {  	_ =	sfence.sel $0x180000  }
0x6d: {  	[bflag:$0x0] =	sbarrier.arrive $0xFFFF  }
0x6e: {  	p0 =	sne.s32 s1, $0x0;
	_ =	strace $0x90000047  }
0x6f: {  	s0 =	sadd.s32 @!p0 $0x100000, s0;
	[bflag:$0x2] =	sbarrier.arrive $0xFFFF  }
0x70: {  	[sflag:s0] =	ssyncadd.tile.s32 @!p0 $0x1;
	_ =	shalt  }
.Lfunc_end2:
_tile_overlayer_lowered:
.L_overlay_start_2:
0x71: {  	(tag) =	ssettag $0x2  }
0x72: {  	s0 =	rddreg [dreg:$0x0];
	s2 =	stileid.u32  }
0x73: {  	s1 =	rddreg [dreg:$0x1];
	p0 =	sne.s32 s2, $0x0  }
0x74: {  	s3 =	rddreg [dreg:$0x2];
	[bflag:$0x3] =	sbarrier.arrive $0xFFFF;
	s2 =	simm.s32 @!p0 $0x1C01  }
0x75: {  	[timem:s3], [sflag:s2] =	dma.local @!p0 [hbm:s0], s1  }
0x76: {  	s0 =	simm.s32 @!p0 $0x1  }
0x77: {  	_ =	swait.ge @!p0 [sflag:s0], s1  }
0x78: {  	s1 =	ssub.s32 @!p0 $0x0, s1;
	[sflag:s0] =	ssyncset.done @!p0 $0x0  }
0x79: {  	[sflag:s0] =	ssyncadd.s32 @!p0 s1  }
0x7a: {  	[bflag:$0x3] =	sbarrier.arrive $0xFFFF  }
0x7b: {  	_ =	shalt  }

</sc_bundles>
